<compile_context>
chip_gen: v7x
topology: tpu7x:2x2x1
jax: 0.10.2.dev20260603
libtpu: 0.0.44.dev20260713+nightly
codegen_flags: <defaults>
</compile_context>

<pallas_src>
import functools

import jax
import jax.numpy as jnp
from jax import lax
from jax.experimental import pallas as pl
from jax.experimental.pallas import tpu as pltpu
from jax.experimental.pallas import tpu_sc as plsc

N_NODES = 10000
D_FEAT = 128
NUM_CLASSES = 2
N_EDGES = 320000

NP = 10240
ROWS = NP // 128
NT = 16
NC = 2
EPT = N_EDGES // NT
BLK = 2048


def _project_body(x_ref, w_ref, y_ref):
    y_ref[:, pl.ds(0, N_NODES)] = lax.dot_general(
        w_ref[...], x_ref[...],
        dimension_numbers=(((1,), (1,)), ((), ())),
        preferred_element_type=jnp.float32,
    )
    y_ref[:, pl.ds(N_NODES, NP - N_NODES)] = jnp.zeros(
        (NUM_CLASSES, NP - N_NODES), jnp.float32)


def _project(x, W):
    return pl.pallas_call(
        _project_body,
        out_shape=jax.ShapeDtypeStruct((NUM_CLASSES, NP), jnp.float32),
    )(x, W)


def _lsm_body(h_ref, b_ref, o_ref):
    p0 = h_ref[0:1, pl.ds(0, N_NODES)] + b_ref[0]
    p1 = h_ref[1:2, pl.ds(0, N_NODES)] + b_ref[1]
    m = jnp.maximum(p0, p1)
    lse = m + jnp.log(jnp.exp(p0 - m) + jnp.exp(p1 - m))
    o_ref[0:1, :] = p0 - lse
    o_ref[1:2, :] = p1 - lse


def _logsoftmax(h2, b):
    return pl.pallas_call(
        _lsm_body,
        in_specs=[
            pl.BlockSpec(memory_space=pltpu.VMEM),
            pl.BlockSpec(memory_space=pltpu.SMEM),
        ],
        out_shape=jax.ShapeDtypeStruct((NUM_CLASSES, N_NODES), jnp.float32),
    )(h2, b)


NSL = NP // NT
ECH = 20096


def _fill_f32(ref, val):
    v = jnp.full((16,), val, jnp.float32)

    @plsc.parallel_loop(0, NP // 16, unroll=8)
    def body(i):
        ref[pl.ds(i * 16, 16)] = v


def _sc_propagate(ei, y2):
    mesh = plsc.VectorSubcoreMesh(core_axis_name="c", subcore_axis_name="s")
    UN = 5

    @functools.partial(
        pl.kernel,
        mesh=mesh,
        compiler_params=pltpu.CompilerParams(needs_layout_passes=False),
        out_type=jax.ShapeDtypeStruct((NC, NP), jnp.float32),
        scratch_types=[
            pltpu.VMEM((2, ECH), jnp.int32),
            pltpu.VMEM((NP,), jnp.float32),
            pltpu.VMEM((NP,), jnp.float32),
            pltpu.VMEM((NP,), jnp.float32),
            pltpu.VMEM((NT, NSL), jnp.float32),
            pltpu.VMEM_SHARED((NT, NP), jnp.float32),
            pltpu.VMEM_SHARED((NP,), jnp.float32),
            pltpu.SemaphoreType.DMA,
            pltpu.SemaphoreType.DMA,
        ],
    )
    def sc_kernel(ei_hbm, y_hbm, out_hbm,
                  se_t, z, acc, dis, red_t, sh_all, sh_res, sem_e, sem_y):
        cid = lax.axis_index("c")
        sid = lax.axis_index("s")
        ebase = sid * EPT
        nbase = sid * NSL

        sh = (ebase % 128)
        abase = pl.multiple_of(ebase - sh, 128)
        cp_e = pltpu.async_copy(ei_hbm.at[:, pl.ds(abase, ECH)], se_t, sem_e)
        cp_y = pltpu.async_copy(y_hbm.at[cid], z, sem_y)

        def reduce_start(refill):
            pltpu.sync_copy(acc, sh_all.at[sid])
            plsc.subcore_barrier()
            cp_r = pltpu.async_copy(
                sh_all.at[:, pl.ds(nbase, NSL)], red_t, sem_e)
            if refill:
                _fill_f32(acc, 0.0)
            cp_r.wait()

        def sum_16(i):
            s = red_t[0, pl.ds(i * 16, 16)]
            for t in range(1, NT):
                s = s + red_t[t, pl.ds(i * 16, 16)]
            return s

        def publish_and_sync(dst_local):
            pltpu.sync_copy(red_t.at[0], sh_res.at[pl.ds(nbase, NSL)])
            plsc.subcore_barrier()
            pltpu.sync_copy(sh_res, dst_local)

        _fill_f32(acc, 0.0)
        ones16 = jnp.ones((16,), jnp.float32)
        cp_e.wait()

        @plsc.parallel_loop(0, EPT // 16, unroll=16)
        def deg_body(j):
            dv = se_t[1, pl.ds(sh + j * 16, 16)]
            plsc.addupdate_scatter(acc, [dv], ones16)

        reduce_start(refill=True)

        @plsc.parallel_loop(0, NSL // 16, unroll=2)
        def rs_body(i):
            d = sum_16(i) + 1.0
            bits = lax.bitcast_convert_type(d, jnp.int32)
            bits = 0x5F3759DF - (bits >> 1)
            x0 = lax.bitcast_convert_type(bits, jnp.float32)
            x0 = x0 * (1.5 - 0.5 * d * x0 * x0)
            x0 = x0 * (1.5 - 0.5 * d * x0 * x0)
            x0 = x0 * (1.5 - 0.5 * d * x0 * x0)
            red_t[0, pl.ds(i * 16, 16)] = x0

        publish_and_sync(dis)

        cp_y.wait()

        @plsc.parallel_loop(0, NP // 16, unroll=8)
        def z_body(i):
            o = i * 16
            z[pl.ds(o, 16)] = z[pl.ds(o, 16)] * dis[pl.ds(o, 16)]

        def hop(final):
            @plsc.parallel_loop(0, EPT // 16, unroll=16)
            def edge_body(j):
                o = sh + j * 16
                sv = se_t[0, pl.ds(o, 16)]
                dv = se_t[1, pl.ds(o, 16)]
                vals = plsc.load_gather(z, [sv])
                plsc.addupdate_scatter(acc, [dv], vals)

            reduce_start(refill=not final)

            @plsc.parallel_loop(0, NSL // 16, unroll=2)
            def sum_body(i):
                w = sum_16(i) + z[pl.ds(nbase + i * 16, 16)]
                d = dis[pl.ds(nbase + i * 16, 16)]
                scale = d if final else d * d
                red_t[0, pl.ds(i * 16, 16)] = w * scale

        hop(final=False)
        publish_and_sync(z)

        hop(final=True)
        pltpu.sync_copy(red_t.at[0], out_hbm.at[cid, pl.ds(nbase, NSL)])

    return sc_kernel(ei, y2)


def kernel(x, edge_index, W, b):
    ei = edge_index.astype(jnp.int32)
    yT = _project(x, W.T)
    h2 = _sc_propagate(ei, yT)
    out = _logsoftmax(h2, b)
    return out.T

# --- scband reference (transcript-rebuilt; emitter-appended) ---
"""Pipeline reference for scband-sgc-64561948393904 (READ-ONLY COPY).

The authoritative reference and input builder live on the scoring server;
editing this copy changes nothing except your own understanding.
"""

import jax, jax.numpy as jnp
import numpy as np

N_NODES = 10000
D_FEAT = 128
NUM_CLASSES = 2
N_EDGES = 320000
K = 2


def setup_inputs(seed: int = 0) -> dict:
    key = jax.random.key(seed)
    k1, k2, k3, k4 = jax.random.split(key, 4)
    x = jax.random.normal(k1, (N_NODES, D_FEAT), dtype=jnp.float32)
    edge_index = jax.random.randint(k2, (2, N_EDGES), 0, N_NODES, dtype=jnp.int64)
    # SGConv linear layer parameters (in=D_FEAT, out=NUM_CLASSES)
    bound = 1.0 / np.sqrt(D_FEAT)
    W = jax.random.uniform(k3, (D_FEAT, NUM_CLASSES), dtype=jnp.float32, minval=-bound, maxval=bound)
    b = jax.random.uniform(k4, (NUM_CLASSES,), dtype=jnp.float32, minval=-bound, maxval=bound)
    return {"x": x, "edge_index": edge_index, "W": W, "b": b}


def _sgc_forward(x, src, dst, W, b):
    N = x.shape[0]
    # GCN normalization with self-loops: S = D^{-1/2} (A + I) D^{-1/2}
    loop = jnp.arange(N, dtype=src.dtype)
    src_full = jnp.concatenate([src, loop])
    dst_full = jnp.concatenate([dst, loop])
    ones = jnp.ones(src_full.shape[0], dtype=x.dtype)
    deg = jax.ops.segment_sum(ones, dst_full, num_segments=N)
    deg_inv_sqrt = jnp.where(deg > 0, 1.0 / jnp.sqrt(deg), 0.0)
    norm = deg_inv_sqrt[src_full] * deg_inv_sqrt[dst_full]
    h = x
    for _ in range(K):
        msg = h[src_full] * norm[:, None]
        h = jax.ops.segment_sum(msg, dst_full, num_segments=N)
    out = h @ W + b
    return jax.nn.log_softmax(out, axis=1)


def reference(x, edge_index, W, b):
    src = edge_index[0]
    dst = edge_index[1]
    return _sgc_forward(x, src, dst, W, b)

if __name__ == "__main__":
    import jax
    _d = setup_inputs()
    print(jax.jit(kernel)(*tuple(_d.values())))

</pallas_src>

<mosaic_0001>
#map = affine_map<(d0, d1) -> (0, 0)>
module attributes {stable_mosaic.version = 14 : i64} {
  func.func @sc_kernel(%arg0: i32, %arg1: i32, %arg2: memref<2x320000xi32, #tpu.memory_space<hbm>>, %arg3: memref<2x10240xf32, #tpu.memory_space<hbm>>, %arg4: memref<2x10240xf32, #tpu.memory_space<hbm>>, %arg5: memref<2x20096xi32, #tpu.memory_space<vmem>>, %arg6: memref<10240xf32, #tpu.memory_space<vmem>>, %arg7: memref<10240xf32, #tpu.memory_space<vmem>>, %arg8: memref<10240xf32, #tpu.memory_space<vmem>>, %arg9: memref<16x640xf32, #tpu.memory_space<vmem>>, %arg10: memref<16x10240xf32, #tpu.memory_space<vmem_shared>>, %arg11: memref<10240xf32, #tpu.memory_space<vmem_shared>>, %arg12: memref<!tpu.dma_semaphore, #tpu.memory_space<semaphore_mem>>, %arg13: memref<!tpu.dma_semaphore, #tpu.memory_space<semaphore_mem>>) attributes {dimension_semantics = [#tpu.dimension_semantics<core_parallel>, #tpu.dimension_semantics<subcore_parallel>], iteration_bounds = array<i64: 2, 16>, scalar_prefetch = 0 : i64, scratch_operands = 9 : i64, tpu.core_type = #tpu.core_type<sc_vector_subcore>, window_params = [{transform_indices = #map}, {transform_indices = #map}, {transform_indices = #map}]} {
    %mul3A = arith.constant 20000 : i32
    %mul3A_0 = arith.muli %arg1, %mul3A : i32
    %mul3A_1 = arith.constant 640 : i32
    %mul3A_2 = arith.muli %arg1, %mul3A_1 : i32
    %jit3A = arith.constant 128 : i32
    %eq3A = arith.constant 0 : i32
    %eq3A_3 = arith.cmpi eq, %jit3A, %eq3A : i32
    %jit3A_4 = arith.constant 1 : i32
    %select_n3A = arith.select %eq3A_3, %jit3A_4, %jit3A : i32
    %rem3A = arith.remsi %mul3A_0, %select_n3A : i32
    %ne3A = arith.constant 0 : i32
    %ne3A_5 = arith.cmpi ne, %rem3A, %ne3A : i32
    %lt3A = arith.constant 0 : i32
    %lt3A_6 = arith.cmpi slt, %rem3A, %lt3A : i32
    %lt3A_7 = arith.constant 0 : i32
    %lt3A_8 = arith.cmpi slt, %select_n3A, %lt3A_7 : i32
    %ne3A_9 = arith.xori %lt3A_6, %lt3A_8 : i1
    %and3A = arith.andi %ne3A_9, %ne3A_5 : i1
    %add3A = arith.addi %rem3A, %select_n3A : i32
    %select_n3A_10 = arith.select %and3A, %add3A, %rem3A : i32
    %sub3A = arith.subi %mul3A_0, %select_n3A_10 : i32
    %multiple_of3A = tpu.assume_multiple %sub3A, 128 : i32
    %dma_start3A = arith.constant 0 : i32
    %dma_start3A_11 = tpu.memref_slice %arg2[%dma_start3A, %multiple_of3A] : memref<2x320000xi32, #tpu.memory_space<hbm>> -> memref<2x20096xi32, #tpu.memory_space<hbm>>
    %dma_start3A_12 = arith.constant 0 : i32
    %dma_start3A_13 = tpu.memref_slice %arg2[%dma_start3A_12, %multiple_of3A] : memref<2x320000xi32, #tpu.memory_space<hbm>> -> memref<2x20096xi32, #tpu.memory_space<hbm>>
    tpu.enqueue_dma source(%dma_start3A_13 : memref<2x20096xi32, #tpu.memory_space<hbm>>) target(%arg5 : memref<2x20096xi32, #tpu.memory_space<vmem>>) target_semaphore(%arg12 : memref<!tpu.dma_semaphore, #tpu.memory_space<semaphore_mem>>)
    %dma_start3A_14 = arith.constant 0 : i32
    %dma_start3A_15 = tpu.memref_slice %arg3[%arg0, %dma_start3A_14] : memref<2x10240xf32, #tpu.memory_space<hbm>> -> memref<1x10240xf32, #tpu.memory_space<hbm>>
    %dma_start3A_16 = tpu.memref_squeeze %dma_start3A_15 : memref<1x10240xf32, #tpu.memory_space<hbm>> -> memref<10240xf32, #tpu.memory_space<hbm>>
    %dma_start3A_17 = arith.constant 0 : i32
    %dma_start3A_18 = tpu.memref_slice %arg3[%arg0, %dma_start3A_17] : memref<2x10240xf32, #tpu.memory_space<hbm>> -> memref<1x10240xf32, #tpu.memory_space<hbm>>
    %dma_start3A_19 = tpu.memref_squeeze %dma_start3A_18 : memref<1x10240xf32, #tpu.memory_space<hbm>> -> memref<10240xf32, #tpu.memory_space<hbm>>
    tpu.enqueue_dma source(%dma_start3A_19 : memref<10240xf32, #tpu.memory_space<hbm>>) target(%arg6 : memref<10240xf32, #tpu.memory_space<vmem>>) target_semaphore(%arg13 : memref<!tpu.dma_semaphore, #tpu.memory_space<semaphore_mem>>)
    %broadcast_in_dim3A = arith.constant 0.000000e+00 : f32
    %broadcast_in_dim3A_20 = vector.broadcast %broadcast_in_dim3A : f32 to vector<16xf32>
    %parallel_loop3A = arith.constant 0 : i32
    %parallel_loop3A_21 = arith.constant 640 : i32
    %parallel_loop3A_22 = arith.constant 1 : i32
    scf.for %parallel_loop3A_95 = %parallel_loop3A to %parallel_loop3A_21 step %parallel_loop3A_22  : i32 {
      %parallel_loop3A_96 = arith.constant 16 : i32
      %parallel_loop3A_97 = arith.muli %parallel_loop3A_95, %parallel_loop3A_96 : i32
      %parallel_loop3A_98 = arith.index_cast %parallel_loop3A_97 : i32 to index
      %parallel_loop3A_99 = tpu.vector_load %arg7[%parallel_loop3A_98] {strides = array<i32>} : memref<10240xf32, #tpu.memory_space<vmem>>, vector<16xf32>,
      tpu.vector_store %arg7[%parallel_loop3A_98], %broadcast_in_dim3A_20 {strides = array<i32>} : memref<10240xf32, #tpu.memory_space<vmem>>, vector<16xf32>,
    } {sc.loop_unroll_factor = 8 : i64, sc.parallel_access}
    %broadcast_in_dim3A_23 = arith.constant 1.000000e+00 : f32
    %broadcast_in_dim3A_24 = vector.broadcast %broadcast_in_dim3A_23 : f32 to vector<16xf32>
    %dma_wait3A = arith.constant 0 : i32
    %dma_wait3A_25 = tpu.memref_slice %arg2[%dma_wait3A, %multiple_of3A] : memref<2x320000xi32, #tpu.memory_space<hbm>> -> memref<2x20096xi32, #tpu.memory_space<hbm>>
    %dma_wait3A_26 = arith.constant 0 : i32
    %dma_wait3A_27 = tpu.memref_slice %arg2[%dma_wait3A_26, %multiple_of3A] : memref<2x320000xi32, #tpu.memory_space<hbm>> -> memref<2x20096xi32, #tpu.memory_space<hbm>>
    tpu.wait_dma2 semaphore(%arg12 : memref<!tpu.dma_semaphore, #tpu.memory_space<semaphore_mem>>) src(%dma_wait3A_27 : memref<2x20096xi32, #tpu.memory_space<hbm>>) dst(%arg5 : memref<2x20096xi32, #tpu.memory_space<vmem>>)
    %parallel_loop3A_28 = arith.constant 0 : i32
    %parallel_loop3A_29 = arith.constant 1250 : i32
    %parallel_loop3A_30 = arith.constant 1 : i32
    scf.for %parallel_loop3A_95 = %parallel_loop3A_28 to %parallel_loop3A_29 step %parallel_loop3A_30  : i32 {
      %parallel_loop3A_96 = arith.constant 16 : i32
      %parallel_loop3A_97 = arith.muli %parallel_loop3A_95, %parallel_loop3A_96 : i32
      %parallel_loop3A_98 = arith.addi %select_n3A_10, %parallel_loop3A_97 : i32
      %parallel_loop3A_99 = arith.constant 1 : i32
      %parallel_loop3A_100 = arith.index_cast %parallel_loop3A_99 : i32 to index
      %parallel_loop3A_101 = arith.index_cast %parallel_loop3A_98 : i32 to index
      %parallel_loop3A_102 = tpu.vector_load %arg5[%parallel_loop3A_100, %parallel_loop3A_101] {strides = array<i32>} : memref<2x20096xi32, #tpu.memory_space<vmem>>, vector<16xi32>,
      tpu.vector_store_idx %arg7[%parallel_loop3A_102], %broadcast_in_dim3A_24 {add = true} : memref<10240xf32, #tpu.memory_space<vmem>>[vector<16xi32>], vector<16xf32>,
    } {sc.loop_unroll_factor = 16 : i64, sc.parallel_access}
    "tpu.region"() ({
      %run_scoped3A_95 = tpu.sem_alloc : memref<!tpu.dma_semaphore, #tpu.memory_space<semaphore_mem>>
      %dma_start3A_96 = arith.constant 0 : i32
      %dma_start3A_97 = tpu.memref_slice %arg10[%arg1, %dma_start3A_96] : memref<16x10240xf32, #tpu.memory_space<vmem_shared>> -> memref<1x10240xf32, #tpu.memory_space<vmem_shared>>
      %dma_start3A_98 = tpu.memref_squeeze %dma_start3A_97 : memref<1x10240xf32, #tpu.memory_space<vmem_shared>> -> memref<10240xf32, #tpu.memory_space<vmem_shared>>
      %dma_start3A_99 = arith.constant 0 : i32
      %dma_start3A_100 = tpu.memref_slice %arg10[%arg1, %dma_start3A_99] : memref<16x10240xf32, #tpu.memory_space<vmem_shared>> -> memref<1x10240xf32, #tpu.memory_space<vmem_shared>>
      %dma_start3A_101 = tpu.memref_squeeze %dma_start3A_100 : memref<1x10240xf32, #tpu.memory_space<vmem_shared>> -> memref<10240xf32, #tpu.memory_space<vmem_shared>>
      tpu.enqueue_dma source(%arg7 : memref<10240xf32, #tpu.memory_space<vmem>>) target(%dma_start3A_101 : memref<10240xf32, #tpu.memory_space<vmem_shared>>) target_semaphore(%run_scoped3A_95 : memref<!tpu.dma_semaphore, #tpu.memory_space<semaphore_mem>>)
      %dma_wait3A_102 = arith.constant 0 : i32
      %dma_wait3A_103 = tpu.memref_slice %arg10[%arg1, %dma_wait3A_102] : memref<16x10240xf32, #tpu.memory_space<vmem_shared>> -> memref<1x10240xf32, #tpu.memory_space<vmem_shared>>
      %dma_wait3A_104 = tpu.memref_squeeze %dma_wait3A_103 : memref<1x10240xf32, #tpu.memory_space<vmem_shared>> -> memref<10240xf32, #tpu.memory_space<vmem_shared>>
      %dma_wait3A_105 = arith.constant 0 : i32
      %dma_wait3A_106 = tpu.memref_slice %arg10[%arg1, %dma_wait3A_105] : memref<16x10240xf32, #tpu.memory_space<vmem_shared>> -> memref<1x10240xf32, #tpu.memory_space<vmem_shared>>
      %dma_wait3A_107 = tpu.memref_squeeze %dma_wait3A_106 : memref<1x10240xf32, #tpu.memory_space<vmem_shared>> -> memref<10240xf32, #tpu.memory_space<vmem_shared>>
      tpu.wait_dma2 semaphore(%run_scoped3A_95 : memref<!tpu.dma_semaphore, #tpu.memory_space<semaphore_mem>>) src(%arg7 : memref<10240xf32, #tpu.memory_space<vmem>>) dst(%dma_wait3A_107 : memref<10240xf32, #tpu.memory_space<vmem_shared>>)
      tpu.yield
    }) : () -> ()
    %barrier3A = arith.constant 0 : index
    tpu.barrier barrier_id(%barrier3A)
    %dma_start3A_31 = arith.constant 0 : i32
    %dma_start3A_32 = tpu.memref_slice %arg10[%dma_start3A_31, %mul3A_2] : memref<16x10240xf32, #tpu.memory_space<vmem_shared>> -> memref<16x640xf32, #tpu.memory_space<vmem_shared>>
    %dma_start3A_33 = arith.constant 0 : i32
    %dma_start3A_34 = tpu.memref_slice %arg10[%dma_start3A_33, %mul3A_2] : memref<16x10240xf32, #tpu.memory_space<vmem_shared>> -> memref<16x640xf32, #tpu.memory_space<vmem_shared>>
    tpu.enqueue_dma source(%dma_start3A_34 : memref<16x640xf32, #tpu.memory_space<vmem_shared>>) target(%arg9 : memref<16x640xf32, #tpu.memory_space<vmem>>) target_semaphore(%arg12 : memref<!tpu.dma_semaphore, #tpu.memory_space<semaphore_mem>>)
    %broadcast_in_dim3A_35 = arith.constant 0.000000e+00 : f32
    %broadcast_in_dim3A_36 = vector.broadcast %broadcast_in_dim3A_35 : f32 to vector<16xf32>
    %parallel_loop3A_37 = arith.constant 0 : i32
    %parallel_loop3A_38 = arith.constant 640 : i32
    %parallel_loop3A_39 = arith.constant 1 : i32
    scf.for %parallel_loop3A_95 = %parallel_loop3A_37 to %parallel_loop3A_38 step %parallel_loop3A_39  : i32 {
      %parallel_loop3A_96 = arith.constant 16 : i32
      %parallel_loop3A_97 = arith.muli %parallel_loop3A_95, %parallel_loop3A_96 : i32
      %parallel_loop3A_98 = arith.index_cast %parallel_loop3A_97 : i32 to index
      %parallel_loop3A_99 = tpu.vector_load %arg7[%parallel_loop3A_98] {strides = array<i32>} : memref<10240xf32, #tpu.memory_space<vmem>>, vector<16xf32>,
      tpu.vector_store %arg7[%parallel_loop3A_98], %broadcast_in_dim3A_36 {strides = array<i32>} : memref<10240xf32, #tpu.memory_space<vmem>>, vector<16xf32>,
    } {sc.loop_unroll_factor = 8 : i64, sc.parallel_access}
    %dma_wait3A_40 = arith.constant 0 : i32
    %dma_wait3A_41 = tpu.memref_slice %arg10[%dma_wait3A_40, %mul3A_2] : memref<16x10240xf32, #tpu.memory_space<vmem_shared>> -> memref<16x640xf32, #tpu.memory_space<vmem_shared>>
    %dma_wait3A_42 = arith.constant 0 : i32
    %dma_wait3A_43 = tpu.memref_slice %arg10[%dma_wait3A_42, %mul3A_2] : memref<16x10240xf32, #tpu.memory_space<vmem_shared>> -> memref<16x640xf32, #tpu.memory_space<vmem_shared>>
    tpu.wait_dma2 semaphore(%arg12 : memref<!tpu.dma_semaphore, #tpu.memory_space<semaphore_mem>>) src(%dma_wait3A_43 : memref<16x640xf32, #tpu.memory_space<vmem_shared>>) dst(%arg9 : memref<16x640xf32, #tpu.memory_space<vmem>>)
    %parallel_loop3A_44 = arith.constant 0 : i32
    %parallel_loop3A_45 = arith.constant 40 : i32
    %parallel_loop3A_46 = arith.constant 1 : i32
    scf.for %parallel_loop3A_95 = %parallel_loop3A_44 to %parallel_loop3A_45 step %parallel_loop3A_46  : i32 {
      %parallel_loop3A_96 = arith.constant 16 : i32
      %parallel_loop3A_97 = arith.muli %parallel_loop3A_95, %parallel_loop3A_96 : i32
      %parallel_loop3A_98 = arith.constant 0 : i32
      %parallel_loop3A_99 = arith.index_cast %parallel_loop3A_98 : i32 to index
      %parallel_loop3A_100 = arith.index_cast %parallel_loop3A_97 : i32 to index
      %parallel_loop3A_101 = tpu.vector_load %arg9[%parallel_loop3A_99, %parallel_loop3A_100] {strides = array<i32>} : memref<16x640xf32, #tpu.memory_space<vmem>>, vector<16xf32>,
      %parallel_loop3A_102 = arith.constant 16 : i32
      %parallel_loop3A_103 = arith.muli %parallel_loop3A_95, %parallel_loop3A_102 : i32
      %parallel_loop3A_104 = arith.constant 1 : i32
      %parallel_loop3A_105 = arith.index_cast %parallel_loop3A_104 : i32 to index
      %parallel_loop3A_106 = arith.index_cast %parallel_loop3A_103 : i32 to index
      %parallel_loop3A_107 = tpu.vector_load %arg9[%parallel_loop3A_105, %parallel_loop3A_106] {strides = array<i32>} : memref<16x640xf32, #tpu.memory_space<vmem>>, vector<16xf32>,
      %parallel_loop3A_108 = arith.addf %parallel_loop3A_101, %parallel_loop3A_107 : vector<16xf32>
      %parallel_loop3A_109 = arith.constant 16 : i32
      %parallel_loop3A_110 = arith.muli %parallel_loop3A_95, %parallel_loop3A_109 : i32
      %parallel_loop3A_111 = arith.constant 2 : i32
      %parallel_loop3A_112 = arith.index_cast %parallel_loop3A_111 : i32 to index
      %parallel_loop3A_113 = arith.index_cast %parallel_loop3A_110 : i32 to index
      %parallel_loop3A_114 = tpu.vector_load %arg9[%parallel_loop3A_112, %parallel_loop3A_113] {strides = array<i32>} : memref<16x640xf32, #tpu.memory_space<vmem>>, vector<16xf32>,
      %parallel_loop3A_115 = arith.addf %parallel_loop3A_108, %parallel_loop3A_114 : vector<16xf32>
      %parallel_loop3A_116 = arith.constant 16 : i32
      %parallel_loop3A_117 = arith.muli %parallel_loop3A_95, %parallel_loop3A_116 : i32
      %parallel_loop3A_118 = arith.constant 3 : i32
      %parallel_loop3A_119 = arith.index_cast %parallel_loop3A_118 : i32 to index
      %parallel_loop3A_120 = arith.index_cast %parallel_loop3A_117 : i32 to index
      %parallel_loop3A_121 = tpu.vector_load %arg9[%parallel_loop3A_119, %parallel_loop3A_120] {strides = array<i32>} : memref<16x640xf32, #tpu.memory_space<vmem>>, vector<16xf32>,
      %parallel_loop3A_122 = arith.addf %parallel_loop3A_115, %parallel_loop3A_121 : vector<16xf32>
      %parallel_loop3A_123 = arith.constant 16 : i32
      %parallel_loop3A_124 = arith.muli %parallel_loop3A_95, %parallel_loop3A_123 : i32
      %parallel_loop3A_125 = arith.constant 4 : i32
      %parallel_loop3A_126 = arith.index_cast %parallel_loop3A_125 : i32 to index
      %parallel_loop3A_127 = arith.index_cast %parallel_loop3A_124 : i32 to index
      %parallel_loop3A_128 = tpu.vector_load %arg9[%parallel_loop3A_126, %parallel_loop3A_127] {strides = array<i32>} : memref<16x640xf32, #tpu.memory_space<vmem>>, vector<16xf32>,
      %parallel_loop3A_129 = arith.addf %parallel_loop3A_122, %parallel_loop3A_128 : vector<16xf32>
      %parallel_loop3A_130 = arith.constant 16 : i32
      %parallel_loop3A_131 = arith.muli %parallel_loop3A_95, %parallel_loop3A_130 : i32
      %parallel_loop3A_132 = arith.constant 5 : i32
      %parallel_loop3A_133 = arith.index_cast %parallel_loop3A_132 : i32 to index
      %parallel_loop3A_134 = arith.index_cast %parallel_loop3A_131 : i32 to index
      %parallel_loop3A_135 = tpu.vector_load %arg9[%parallel_loop3A_133, %parallel_loop3A_134] {strides = array<i32>} : memref<16x640xf32, #tpu.memory_space<vmem>>, vector<16xf32>,
      %parallel_loop3A_136 = arith.addf %parallel_loop3A_129, %parallel_loop3A_135 : vector<16xf32>
      %parallel_loop3A_137 = arith.constant 16 : i32
      %parallel_loop3A_138 = arith.muli %parallel_loop3A_95, %parallel_loop3A_137 : i32
      %parallel_loop3A_139 = arith.constant 6 : i32
      %parallel_loop3A_140 = arith.index_cast %parallel_loop3A_139 : i32 to index
      %parallel_loop3A_141 = arith.index_cast %parallel_loop3A_138 : i32 to index
      %parallel_loop3A_142 = tpu.vector_load %arg9[%parallel_loop3A_140, %parallel_loop3A_141] {strides = array<i32>} : memref<16x640xf32, #tpu.memory_space<vmem>>, vector<16xf32>,
      %parallel_loop3A_143 = arith.addf %parallel_loop3A_136, %parallel_loop3A_142 : vector<16xf32>
      %parallel_loop3A_144 = arith.constant 16 : i32
      %parallel_loop3A_145 = arith.muli %parallel_loop3A_95, %parallel_loop3A_144 : i32
      %parallel_loop3A_146 = arith.constant 7 : i32
      %parallel_loop3A_147 = arith.index_cast %parallel_loop3A_146 : i32 to index
      %parallel_loop3A_148 = arith.index_cast %parallel_loop3A_145 : i32 to index
      %parallel_loop3A_149 = tpu.vector_load %arg9[%parallel_loop3A_147, %parallel_loop3A_148] {strides = array<i32>} : memref<16x640xf32, #tpu.memory_space<vmem>>, vector<16xf32>,
      %parallel_loop3A_150 = arith.addf %parallel_loop3A_143, %parallel_loop3A_149 : vector<16xf32>
      %parallel_loop3A_151 = arith.constant 16 : i32
      %parallel_loop3A_152 = arith.muli %parallel_loop3A_95, %parallel_loop3A_151 : i32
      %parallel_loop3A_153 = arith.constant 8 : i32
      %parallel_loop3A_154 = arith.index_cast %parallel_loop3A_153 : i32 to index
      %parallel_loop3A_155 = arith.index_cast %parallel_loop3A_152 : i32 to index
      %parallel_loop3A_156 = tpu.vector_load %arg9[%parallel_loop3A_154, %parallel_loop3A_155] {strides = array<i32>} : memref<16x640xf32, #tpu.memory_space<vmem>>, vector<16xf32>,
      %parallel_loop3A_157 = arith.addf %parallel_loop3A_150, %parallel_loop3A_156 : vector<16xf32>
      %parallel_loop3A_158 = arith.constant 16 : i32
      %parallel_loop3A_159 = arith.muli %parallel_loop3A_95, %parallel_loop3A_158 : i32
      %parallel_loop3A_160 = arith.constant 9 : i32
      %parallel_loop3A_161 = arith.index_cast %parallel_loop3A_160 : i32 to index
      %parallel_loop3A_162 = arith.index_cast %parallel_loop3A_159 : i32 to index
      %parallel_loop3A_163 = tpu.vector_load %arg9[%parallel_loop3A_161, %parallel_loop3A_162] {strides = array<i32>} : memref<16x640xf32, #tpu.memory_space<vmem>>, vector<16xf32>,
      %parallel_loop3A_164 = arith.addf %parallel_loop3A_157, %parallel_loop3A_163 : vector<16xf32>
      %parallel_loop3A_165 = arith.constant 16 : i32
      %parallel_loop3A_166 = arith.muli %parallel_loop3A_95, %parallel_loop3A_165 : i32
      %parallel_loop3A_167 = arith.constant 10 : i32
      %parallel_loop3A_168 = arith.index_cast %parallel_loop3A_167 : i32 to index
      %parallel_loop3A_169 = arith.index_cast %parallel_loop3A_166 : i32 to index
      %parallel_loop3A_170 = tpu.vector_load %arg9[%parallel_loop3A_168, %parallel_loop3A_169] {strides = array<i32>} : memref<16x640xf32, #tpu.memory_space<vmem>>, vector<16xf32>,
      %parallel_loop3A_171 = arith.addf %parallel_loop3A_164, %parallel_loop3A_170 : vector<16xf32>
      %parallel_loop3A_172 = arith.constant 16 : i32
      %parallel_loop3A_173 = arith.muli %parallel_loop3A_95, %parallel_loop3A_172 : i32
      %parallel_loop3A_174 = arith.constant 11 : i32
      %parallel_loop3A_175 = arith.index_cast %parallel_loop3A_174 : i32 to index
      %parallel_loop3A_176 = arith.index_cast %parallel_loop3A_173 : i32 to index
      %parallel_loop3A_177 = tpu.vector_load %arg9[%parallel_loop3A_175, %parallel_loop3A_176] {strides = array<i32>} : memref<16x640xf32, #tpu.memory_space<vmem>>, vector<16xf32>,
      %parallel_loop3A_178 = arith.addf %parallel_loop3A_171, %parallel_loop3A_177 : vector<16xf32>
      %parallel_loop3A_179 = arith.constant 16 : i32
      %parallel_loop3A_180 = arith.muli %parallel_loop3A_95, %parallel_loop3A_179 : i32
      %parallel_loop3A_181 = arith.constant 12 : i32
      %parallel_loop3A_182 = arith.index_cast %parallel_loop3A_181 : i32 to index
      %parallel_loop3A_183 = arith.index_cast %parallel_loop3A_180 : i32 to index
      %parallel_loop3A_184 = tpu.vector_load %arg9[%parallel_loop3A_182, %parallel_loop3A_183] {strides = array<i32>} : memref<16x640xf32, #tpu.memory_space<vmem>>, vector<16xf32>,
      %parallel_loop3A_185 = arith.addf %parallel_loop3A_178, %parallel_loop3A_184 : vector<16xf32>
      %parallel_loop3A_186 = arith.constant 16 : i32
      %parallel_loop3A_187 = arith.muli %parallel_loop3A_95, %parallel_loop3A_186 : i32
      %parallel_loop3A_188 = arith.constant 13 : i32
      %parallel_loop3A_189 = arith.index_cast %parallel_loop3A_188 : i32 to index
      %parallel_loop3A_190 = arith.index_cast %parallel_loop3A_187 : i32 to index
      %parallel_loop3A_191 = tpu.vector_load %arg9[%parallel_loop3A_189, %parallel_loop3A_190] {strides = array<i32>} : memref<16x640xf32, #tpu.memory_space<vmem>>, vector<16xf32>,
      %parallel_loop3A_192 = arith.addf %parallel_loop3A_185, %parallel_loop3A_191 : vector<16xf32>
      %parallel_loop3A_193 = arith.constant 16 : i32
      %parallel_loop3A_194 = arith.muli %parallel_loop3A_95, %parallel_loop3A_193 : i32
      %parallel_loop3A_195 = arith.constant 14 : i32
      %parallel_loop3A_196 = arith.index_cast %parallel_loop3A_195 : i32 to index
      %parallel_loop3A_197 = arith.index_cast %parallel_loop3A_194 : i32 to index
      %parallel_loop3A_198 = tpu.vector_load %arg9[%parallel_loop3A_196, %parallel_loop3A_197] {strides = array<i32>} : memref<16x640xf32, #tpu.memory_space<vmem>>, vector<16xf32>,
      %parallel_loop3A_199 = arith.addf %parallel_loop3A_192, %parallel_loop3A_198 : vector<16xf32>
      %parallel_loop3A_200 = arith.constant 16 : i32
      %parallel_loop3A_201 = arith.muli %parallel_loop3A_95, %parallel_loop3A_200 : i32
      %parallel_loop3A_202 = arith.constant 15 : i32
      %parallel_loop3A_203 = arith.index_cast %parallel_loop3A_202 : i32 to index
      %parallel_loop3A_204 = arith.index_cast %parallel_loop3A_201 : i32 to index
      %parallel_loop3A_205 = tpu.vector_load %arg9[%parallel_loop3A_203, %parallel_loop3A_204] {strides = array<i32>} : memref<16x640xf32, #tpu.memory_space<vmem>>, vector<16xf32>,
      %parallel_loop3A_206 = arith.addf %parallel_loop3A_199, %parallel_loop3A_205 : vector<16xf32>
      %parallel_loop3A_207 = arith.constant 1.000000e+00 : f32
      %parallel_loop3A_208 = vector.broadcast %parallel_loop3A_207 : f32 to vector<16xf32>
      %parallel_loop3A_209 = arith.addf %parallel_loop3A_206, %parallel_loop3A_208 : vector<16xf32>
      %parallel_loop3A_210 = tpu.bitcast %parallel_loop3A_209 : vector<16xf32> -> vector<16xi32>
      %parallel_loop3A_211 = arith.constant 1 : i32
      %parallel_loop3A_212 = vector.broadcast %parallel_loop3A_211 : i32 to vector<16xi32>
      %parallel_loop3A_213 = arith.shrsi %parallel_loop3A_210, %parallel_loop3A_212 : vector<16xi32>
      %parallel_loop3A_214 = arith.constant 1597463007 : i32
      %parallel_loop3A_215 = vector.broadcast %parallel_loop3A_214 : i32 to vector<16xi32>
      %parallel_loop3A_216 = arith.subi %parallel_loop3A_215, %parallel_loop3A_213 : vector<16xi32>
      %parallel_loop3A_217 = tpu.bitcast %parallel_loop3A_216 : vector<16xi32> -> vector<16xf32>
      %parallel_loop3A_218 = arith.constant 5.000000e-01 : f32
      %parallel_loop3A_219 = vector.broadcast %parallel_loop3A_218 : f32 to vector<16xf32>
      %parallel_loop3A_220 = arith.mulf %parallel_loop3A_219, %parallel_loop3A_209 : vector<16xf32>
      %parallel_loop3A_221 = arith.mulf %parallel_loop3A_220, %parallel_loop3A_217 : vector<16xf32>
      %parallel_loop3A_222 = arith.mulf %parallel_loop3A_221, %parallel_loop3A_217 : vector<16xf32>
      %parallel_loop3A_223 = arith.constant 1.500000e+00 : f32
      %parallel_loop3A_224 = vector.broadcast %parallel_loop3A_223 : f32 to vector<16xf32>
      %parallel_loop3A_225 = arith.subf %parallel_loop3A_224, %parallel_loop3A_222 : vector<16xf32>
      %parallel_loop3A_226 = arith.mulf %parallel_loop3A_217, %parallel_loop3A_225 : vector<16xf32>
      %parallel_loop3A_227 = arith.constant 5.000000e-01 : f32
      %parallel_loop3A_228 = vector.broadcast %parallel_loop3A_227 : f32 to vector<16xf32>
      %parallel_loop3A_229 = arith.mulf %parallel_loop3A_228, %parallel_loop3A_209 : vector<16xf32>
      %parallel_loop3A_230 = arith.mulf %parallel_loop3A_229, %parallel_loop3A_226 : vector<16xf32>
      %parallel_loop3A_231 = arith.mulf %parallel_loop3A_230, %parallel_loop3A_226 : vector<16xf32>
      %parallel_loop3A_232 = arith.constant 1.500000e+00 : f32
      %parallel_loop3A_233 = vector.broadcast %parallel_loop3A_232 : f32 to vector<16xf32>
      %parallel_loop3A_234 = arith.subf %parallel_loop3A_233, %parallel_loop3A_231 : vector<16xf32>
      %parallel_loop3A_235 = arith.mulf %parallel_loop3A_226, %parallel_loop3A_234 : vector<16xf32>
      %parallel_loop3A_236 = arith.constant 5.000000e-01 : f32
      %parallel_loop3A_237 = vector.broadcast %parallel_loop3A_236 : f32 to vector<16xf32>
      %parallel_loop3A_238 = arith.mulf %parallel_loop3A_237, %parallel_loop3A_209 : vector<16xf32>
      %parallel_loop3A_239 = arith.mulf %parallel_loop3A_238, %parallel_loop3A_235 : vector<16xf32>
      %parallel_loop3A_240 = arith.mulf %parallel_loop3A_239, %parallel_loop3A_235 : vector<16xf32>
      %parallel_loop3A_241 = arith.constant 1.500000e+00 : f32
      %parallel_loop3A_242 = vector.broadcast %parallel_loop3A_241 : f32 to vector<16xf32>
      %parallel_loop3A_243 = arith.subf %parallel_loop3A_242, %parallel_loop3A_240 : vector<16xf32>
      %parallel_loop3A_244 = arith.mulf %parallel_loop3A_235, %parallel_loop3A_243 : vector<16xf32>
      %parallel_loop3A_245 = arith.constant 16 : i32
      %parallel_loop3A_246 = arith.muli %parallel_loop3A_95, %parallel_loop3A_245 : i32
      %parallel_loop3A_247 = arith.constant 0 : i32
      %parallel_loop3A_248 = arith.index_cast %parallel_loop3A_247 : i32 to index
      %parallel_loop3A_249 = arith.index_cast %parallel_loop3A_246 : i32 to index
      %parallel_loop3A_250 = tpu.vector_load %arg9[%parallel_loop3A_248, %parallel_loop3A_249] {strides = array<i32>} : memref<16x640xf32, #tpu.memory_space<vmem>>, vector<16xf32>,
      tpu.vector_store %arg9[%parallel_loop3A_248, %parallel_loop3A_249], %parallel_loop3A_244 {strides = array<i32>} : memref<16x640xf32, #tpu.memory_space<vmem>>, vector<16xf32>,
    } {sc.loop_unroll_factor = 2 : i64, sc.parallel_access}
    %run_scoped3A = arith.constant 0 : i32
    "tpu.region"() ({
      %run_scoped3A_95 = tpu.sem_alloc : memref<!tpu.dma_semaphore, #tpu.memory_space<semaphore_mem>>
      %dma_start3A_96 = arith.constant 0 : i32
      %dma_start3A_97 = tpu.memref_slice %arg9[%run_scoped3A, %dma_start3A_96] : memref<16x640xf32, #tpu.memory_space<vmem>> -> memref<1x640xf32, #tpu.memory_space<vmem>>
      %dma_start3A_98 = tpu.memref_squeeze %dma_start3A_97 : memref<1x640xf32, #tpu.memory_space<vmem>> -> memref<640xf32, #tpu.memory_space<vmem>>
      %dma_start3A_99 = tpu.memref_slice %arg11[%mul3A_2] : memref<10240xf32, #tpu.memory_space<vmem_shared>> -> memref<640xf32, #tpu.memory_space<vmem_shared>>
      %dma_start3A_100 = tpu.memref_slice %arg11[%mul3A_2] : memref<10240xf32, #tpu.memory_space<vmem_shared>> -> memref<640xf32, #tpu.memory_space<vmem_shared>>
      %dma_start3A_101 = arith.constant 0 : i32
      %dma_start3A_102 = tpu.memref_slice %arg9[%run_scoped3A, %dma_start3A_101] : memref<16x640xf32, #tpu.memory_space<vmem>> -> memref<1x640xf32, #tpu.memory_space<vmem>>
      %dma_start3A_103 = tpu.memref_squeeze %dma_start3A_102 : memref<1x640xf32, #tpu.memory_space<vmem>> -> memref<640xf32, #tpu.memory_space<vmem>>
      tpu.enqueue_dma source(%dma_start3A_103 : memref<640xf32, #tpu.memory_space<vmem>>) target(%dma_start3A_100 : memref<640xf32, #tpu.memory_space<vmem_shared>>) target_semaphore(%run_scoped3A_95 : memref<!tpu.dma_semaphore, #tpu.memory_space<semaphore_mem>>)
      %dma_wait3A_104 = arith.constant 0 : i32
      %dma_wait3A_105 = tpu.memref_slice %arg9[%run_scoped3A, %dma_wait3A_104] : memref<16x640xf32, #tpu.memory_space<vmem>> -> memref<1x640xf32, #tpu.memory_space<vmem>>
      %dma_wait3A_106 = tpu.memref_squeeze %dma_wait3A_105 : memref<1x640xf32, #tpu.memory_space<vmem>> -> memref<640xf32, #tpu.memory_space<vmem>>
      %dma_wait3A_107 = tpu.memref_slice %arg11[%mul3A_2] : memref<10240xf32, #tpu.memory_space<vmem_shared>> -> memref<640xf32, #tpu.memory_space<vmem_shared>>
      %dma_wait3A_108 = tpu.memref_slice %arg11[%mul3A_2] : memref<10240xf32, #tpu.memory_space<vmem_shared>> -> memref<640xf32, #tpu.memory_space<vmem_shared>>
      %dma_wait3A_109 = arith.constant 0 : i32
      %dma_wait3A_110 = tpu.memref_slice %arg9[%run_scoped3A, %dma_wait3A_109] : memref<16x640xf32, #tpu.memory_space<vmem>> -> memref<1x640xf32, #tpu.memory_space<vmem>>
      %dma_wait3A_111 = tpu.memref_squeeze %dma_wait3A_110 : memref<1x640xf32, #tpu.memory_space<vmem>> -> memref<640xf32, #tpu.memory_space<vmem>>
      tpu.wait_dma2 semaphore(%run_scoped3A_95 : memref<!tpu.dma_semaphore, #tpu.memory_space<semaphore_mem>>) src(%dma_wait3A_111 : memref<640xf32, #tpu.memory_space<vmem>>) dst(%dma_wait3A_108 : memref<640xf32, #tpu.memory_space<vmem_shared>>)
      tpu.yield
    }) : () -> ()
    %barrier3A_47 = arith.constant 0 : index
    tpu.barrier barrier_id(%barrier3A_47)
    "tpu.region"() ({
      %run_scoped3A_95 = tpu.sem_alloc : memref<!tpu.dma_semaphore, #tpu.memory_space<semaphore_mem>>
      tpu.enqueue_dma source(%arg11 : memref<10240xf32, #tpu.memory_space<vmem_shared>>) target(%arg8 : memref<10240xf32, #tpu.memory_space<vmem>>) target_semaphore(%run_scoped3A_95 : memref<!tpu.dma_semaphore, #tpu.memory_space<semaphore_mem>>)
      tpu.wait_dma2 semaphore(%run_scoped3A_95 : memref<!tpu.dma_semaphore, #tpu.memory_space<semaphore_mem>>) src(%arg11 : memref<10240xf32, #tpu.memory_space<vmem_shared>>) dst(%arg8 : memref<10240xf32, #tpu.memory_space<vmem>>)
      tpu.yield
    }) : () -> ()
    %dma_wait3A_48 = arith.constant 0 : i32
    %dma_wait3A_49 = tpu.memref_slice %arg3[%arg0, %dma_wait3A_48] : memref<2x10240xf32, #tpu.memory_space<hbm>> -> memref<1x10240xf32, #tpu.memory_space<hbm>>
    %dma_wait3A_50 = tpu.memref_squeeze %dma_wait3A_49 : memref<1x10240xf32, #tpu.memory_space<hbm>> -> memref<10240xf32, #tpu.memory_space<hbm>>
    %dma_wait3A_51 = arith.constant 0 : i32
    %dma_wait3A_52 = tpu.memref_slice %arg3[%arg0, %dma_wait3A_51] : memref<2x10240xf32, #tpu.memory_space<hbm>> -> memref<1x10240xf32, #tpu.memory_space<hbm>>
    %dma_wait3A_53 = tpu.memref_squeeze %dma_wait3A_52 : memref<1x10240xf32, #tpu.memory_space<hbm>> -> memref<10240xf32, #tpu.memory_space<hbm>>
    tpu.wait_dma2 semaphore(%arg13 : memref<!tpu.dma_semaphore, #tpu.memory_space<semaphore_mem>>) src(%dma_wait3A_53 : memref<10240xf32, #tpu.memory_space<hbm>>) dst(%arg6 : memref<10240xf32, #tpu.memory_space<vmem>>)
    %parallel_loop3A_54 = arith.constant 0 : i32
    %parallel_loop3A_55 = arith.constant 640 : i32
    %parallel_loop3A_56 = arith.constant 1 : i32
    scf.for %parallel_loop3A_95 = %parallel_loop3A_54 to %parallel_loop3A_55 step %parallel_loop3A_56  : i32 {
      %parallel_loop3A_96 = arith.constant 16 : i32
      %parallel_loop3A_97 = arith.muli %parallel_loop3A_95, %parallel_loop3A_96 : i32
      %parallel_loop3A_98 = arith.index_cast %parallel_loop3A_97 : i32 to index
      %parallel_loop3A_99 = tpu.vector_load %arg6[%parallel_loop3A_98] {strides = array<i32>} : memref<10240xf32, #tpu.memory_space<vmem>>, vector<16xf32>,
      %parallel_loop3A_100 = arith.index_cast %parallel_loop3A_97 : i32 to index
      %parallel_loop3A_101 = tpu.vector_load %arg8[%parallel_loop3A_100] {strides = array<i32>} : memref<10240xf32, #tpu.memory_space<vmem>>, vector<16xf32>,
      %parallel_loop3A_102 = arith.mulf %parallel_loop3A_99, %parallel_loop3A_101 : vector<16xf32>
      %parallel_loop3A_103 = arith.index_cast %parallel_loop3A_97 : i32 to index
      %parallel_loop3A_104 = tpu.vector_load %arg6[%parallel_loop3A_103] {strides = array<i32>} : memref<10240xf32, #tpu.memory_space<vmem>>, vector<16xf32>,
      tpu.vector_store %arg6[%parallel_loop3A_103], %parallel_loop3A_102 {strides = array<i32>} : memref<10240xf32, #tpu.memory_space<vmem>>, vector<16xf32>,
    } {sc.loop_unroll_factor = 8 : i64, sc.parallel_access}
    %parallel_loop3A_57 = arith.constant 0 : i32
    %parallel_loop3A_58 = arith.constant 1250 : i32
    %parallel_loop3A_59 = arith.constant 1 : i32
    scf.for %parallel_loop3A_95 = %parallel_loop3A_57 to %parallel_loop3A_58 step %parallel_loop3A_59  : i32 {
      %parallel_loop3A_96 = arith.constant 16 : i32
      %parallel_loop3A_97 = arith.muli %parallel_loop3A_95, %parallel_loop3A_96 : i32
      %parallel_loop3A_98 = arith.addi %select_n3A_10, %parallel_loop3A_97 : i32
      %parallel_loop3A_99 = arith.constant 0 : i32
      %parallel_loop3A_100 = arith.index_cast %parallel_loop3A_99 : i32 to index
      %parallel_loop3A_101 = arith.index_cast %parallel_loop3A_98 : i32 to index
      %parallel_loop3A_102 = tpu.vector_load %arg5[%parallel_loop3A_100, %parallel_loop3A_101] {strides = array<i32>} : memref<2x20096xi32, #tpu.memory_space<vmem>>, vector<16xi32>,
      %parallel_loop3A_103 = arith.constant 1 : i32
      %parallel_loop3A_104 = arith.index_cast %parallel_loop3A_103 : i32 to index
      %parallel_loop3A_105 = arith.index_cast %parallel_loop3A_98 : i32 to index
      %parallel_loop3A_106 = tpu.vector_load %arg5[%parallel_loop3A_104, %parallel_loop3A_105] {strides = array<i32>} : memref<2x20096xi32, #tpu.memory_space<vmem>>, vector<16xi32>,
      %parallel_loop3A_107 = tpu.vector_load_idx %arg6[%parallel_loop3A_102] : memref<10240xf32, #tpu.memory_space<vmem>>[vector<16xi32>], vector<16xf32>,
      tpu.vector_store_idx %arg7[%parallel_loop3A_106], %parallel_loop3A_107 {add = true} : memref<10240xf32, #tpu.memory_space<vmem>>[vector<16xi32>], vector<16xf32>,
    } {sc.loop_unroll_factor = 16 : i64, sc.parallel_access}
    "tpu.region"() ({
      %run_scoped3A_95 = tpu.sem_alloc : memref<!tpu.dma_semaphore, #tpu.memory_space<semaphore_mem>>
      %dma_start3A_96 = arith.constant 0 : i32
      %dma_start3A_97 = tpu.memref_slice %arg10[%arg1, %dma_start3A_96] : memref<16x10240xf32, #tpu.memory_space<vmem_shared>> -> memref<1x10240xf32, #tpu.memory_space<vmem_shared>>
      %dma_start3A_98 = tpu.memref_squeeze %dma_start3A_97 : memref<1x10240xf32, #tpu.memory_space<vmem_shared>> -> memref<10240xf32, #tpu.memory_space<vmem_shared>>
      %dma_start3A_99 = arith.constant 0 : i32
      %dma_start3A_100 = tpu.memref_slice %arg10[%arg1, %dma_start3A_99] : memref<16x10240xf32, #tpu.memory_space<vmem_shared>> -> memref<1x10240xf32, #tpu.memory_space<vmem_shared>>
      %dma_start3A_101 = tpu.memref_squeeze %dma_start3A_100 : memref<1x10240xf32, #tpu.memory_space<vmem_shared>> -> memref<10240xf32, #tpu.memory_space<vmem_shared>>
      tpu.enqueue_dma source(%arg7 : memref<10240xf32, #tpu.memory_space<vmem>>) target(%dma_start3A_101 : memref<10240xf32, #tpu.memory_space<vmem_shared>>) target_semaphore(%run_scoped3A_95 : memref<!tpu.dma_semaphore, #tpu.memory_space<semaphore_mem>>)
      %dma_wait3A_102 = arith.constant 0 : i32
      %dma_wait3A_103 = tpu.memref_slice %arg10[%arg1, %dma_wait3A_102] : memref<16x10240xf32, #tpu.memory_space<vmem_shared>> -> memref<1x10240xf32, #tpu.memory_space<vmem_shared>>
      %dma_wait3A_104 = tpu.memref_squeeze %dma_wait3A_103 : memref<1x10240xf32, #tpu.memory_space<vmem_shared>> -> memref<10240xf32, #tpu.memory_space<vmem_shared>>
      %dma_wait3A_105 = arith.constant 0 : i32
      %dma_wait3A_106 = tpu.memref_slice %arg10[%arg1, %dma_wait3A_105] : memref<16x10240xf32, #tpu.memory_space<vmem_shared>> -> memref<1x10240xf32, #tpu.memory_space<vmem_shared>>
      %dma_wait3A_107 = tpu.memref_squeeze %dma_wait3A_106 : memref<1x10240xf32, #tpu.memory_space<vmem_shared>> -> memref<10240xf32, #tpu.memory_space<vmem_shared>>
      tpu.wait_dma2 semaphore(%run_scoped3A_95 : memref<!tpu.dma_semaphore, #tpu.memory_space<semaphore_mem>>) src(%arg7 : memref<10240xf32, #tpu.memory_space<vmem>>) dst(%dma_wait3A_107 : memref<10240xf32, #tpu.memory_space<vmem_shared>>)
      tpu.yield
    }) : () -> ()
    %barrier3A_60 = arith.constant 0 : index
    tpu.barrier barrier_id(%barrier3A_60)
    %dma_start3A_61 = arith.constant 0 : i32
    %dma_start3A_62 = tpu.memref_slice %arg10[%dma_start3A_61, %mul3A_2] : memref<16x10240xf32, #tpu.memory_space<vmem_shared>> -> memref<16x640xf32, #tpu.memory_space<vmem_shared>>
    %dma_start3A_63 = arith.constant 0 : i32
    %dma_start3A_64 = tpu.memref_slice %arg10[%dma_start3A_63, %mul3A_2] : memref<16x10240xf32, #tpu.memory_space<vmem_shared>> -> memref<16x640xf32, #tpu.memory_space<vmem_shared>>
    tpu.enqueue_dma source(%dma_start3A_64 : memref<16x640xf32, #tpu.memory_space<vmem_shared>>) target(%arg9 : memref<16x640xf32, #tpu.memory_space<vmem>>) target_semaphore(%arg12 : memref<!tpu.dma_semaphore, #tpu.memory_space<semaphore_mem>>)
    %broadcast_in_dim3A_65 = arith.constant 0.000000e+00 : f32
    %broadcast_in_dim3A_66 = vector.broadcast %broadcast_in_dim3A_65 : f32 to vector<16xf32>
    %parallel_loop3A_67 = arith.constant 0 : i32
    %parallel_loop3A_68 = arith.constant 640 : i32
    %parallel_loop3A_69 = arith.constant 1 : i32
    scf.for %parallel_loop3A_95 = %parallel_loop3A_67 to %parallel_loop3A_68 step %parallel_loop3A_69  : i32 {
      %parallel_loop3A_96 = arith.constant 16 : i32
      %parallel_loop3A_97 = arith.muli %parallel_loop3A_95, %parallel_loop3A_96 : i32
      %parallel_loop3A_98 = arith.index_cast %parallel_loop3A_97 : i32 to index
      %parallel_loop3A_99 = tpu.vector_load %arg7[%parallel_loop3A_98] {strides = array<i32>} : memref<10240xf32, #tpu.memory_space<vmem>>, vector<16xf32>,
      tpu.vector_store %arg7[%parallel_loop3A_98], %broadcast_in_dim3A_66 {strides = array<i32>} : memref<10240xf32, #tpu.memory_space<vmem>>, vector<16xf32>,
    } {sc.loop_unroll_factor = 8 : i64, sc.parallel_access}
    %dma_wait3A_70 = arith.constant 0 : i32
    %dma_wait3A_71 = tpu.memref_slice %arg10[%dma_wait3A_70, %mul3A_2] : memref<16x10240xf32, #tpu.memory_space<vmem_shared>> -> memref<16x640xf32, #tpu.memory_space<vmem_shared>>
    %dma_wait3A_72 = arith.constant 0 : i32
    %dma_wait3A_73 = tpu.memref_slice %arg10[%dma_wait3A_72, %mul3A_2] : memref<16x10240xf32, #tpu.memory_space<vmem_shared>> -> memref<16x640xf32, #tpu.memory_space<vmem_shared>>
    tpu.wait_dma2 semaphore(%arg12 : memref<!tpu.dma_semaphore, #tpu.memory_space<semaphore_mem>>) src(%dma_wait3A_73 : memref<16x640xf32, #tpu.memory_space<vmem_shared>>) dst(%arg9 : memref<16x640xf32, #tpu.memory_space<vmem>>)
    %parallel_loop3A_74 = arith.constant 0 : i32
    %parallel_loop3A_75 = arith.constant 40 : i32
    %parallel_loop3A_76 = arith.constant 1 : i32
    scf.for %parallel_loop3A_95 = %parallel_loop3A_74 to %parallel_loop3A_75 step %parallel_loop3A_76  : i32 {
      %parallel_loop3A_96 = arith.constant 16 : i32
      %parallel_loop3A_97 = arith.muli %parallel_loop3A_95, %parallel_loop3A_96 : i32
      %parallel_loop3A_98 = arith.constant 0 : i32
      %parallel_loop3A_99 = arith.index_cast %parallel_loop3A_98 : i32 to index
      %parallel_loop3A_100 = arith.index_cast %parallel_loop3A_97 : i32 to index
      %parallel_loop3A_101 = tpu.vector_load %arg9[%parallel_loop3A_99, %parallel_loop3A_100] {strides = array<i32>} : memref<16x640xf32, #tpu.memory_space<vmem>>, vector<16xf32>,
      %parallel_loop3A_102 = arith.constant 16 : i32
      %parallel_loop3A_103 = arith.muli %parallel_loop3A_95, %parallel_loop3A_102 : i32
      %parallel_loop3A_104 = arith.constant 1 : i32
      %parallel_loop3A_105 = arith.index_cast %parallel_loop3A_104 : i32 to index
      %parallel_loop3A_106 = arith.index_cast %parallel_loop3A_103 : i32 to index
      %parallel_loop3A_107 = tpu.vector_load %arg9[%parallel_loop3A_105, %parallel_loop3A_106] {strides = array<i32>} : memref<16x640xf32, #tpu.memory_space<vmem>>, vector<16xf32>,
      %parallel_loop3A_108 = arith.addf %parallel_loop3A_101, %parallel_loop3A_107 : vector<16xf32>
      %parallel_loop3A_109 = arith.constant 16 : i32
      %parallel_loop3A_110 = arith.muli %parallel_loop3A_95, %parallel_loop3A_109 : i32
      %parallel_loop3A_111 = arith.constant 2 : i32
      %parallel_loop3A_112 = arith.index_cast %parallel_loop3A_111 : i32 to index
      %parallel_loop3A_113 = arith.index_cast %parallel_loop3A_110 : i32 to index
      %parallel_loop3A_114 = tpu.vector_load %arg9[%parallel_loop3A_112, %parallel_loop3A_113] {strides = array<i32>} : memref<16x640xf32, #tpu.memory_space<vmem>>, vector<16xf32>,
      %parallel_loop3A_115 = arith.addf %parallel_loop3A_108, %parallel_loop3A_114 : vector<16xf32>
      %parallel_loop3A_116 = arith.constant 16 : i32
      %parallel_loop3A_117 = arith.muli %parallel_loop3A_95, %parallel_loop3A_116 : i32
      %parallel_loop3A_118 = arith.constant 3 : i32
      %parallel_loop3A_119 = arith.index_cast %parallel_loop3A_118 : i32 to index
      %parallel_loop3A_120 = arith.index_cast %parallel_loop3A_117 : i32 to index
      %parallel_loop3A_121 = tpu.vector_load %arg9[%parallel_loop3A_119, %parallel_loop3A_120] {strides = array<i32>} : memref<16x640xf32, #tpu.memory_space<vmem>>, vector<16xf32>,
      %parallel_loop3A_122 = arith.addf %parallel_loop3A_115, %parallel_loop3A_121 : vector<16xf32>
      %parallel_loop3A_123 = arith.constant 16 : i32
      %parallel_loop3A_124 = arith.muli %parallel_loop3A_95, %parallel_loop3A_123 : i32
      %parallel_loop3A_125 = arith.constant 4 : i32
      %parallel_loop3A_126 = arith.index_cast %parallel_loop3A_125 : i32 to index
      %parallel_loop3A_127 = arith.index_cast %parallel_loop3A_124 : i32 to index
      %parallel_loop3A_128 = tpu.vector_load %arg9[%parallel_loop3A_126, %parallel_loop3A_127] {strides = array<i32>} : memref<16x640xf32, #tpu.memory_space<vmem>>, vector<16xf32>,
      %parallel_loop3A_129 = arith.addf %parallel_loop3A_122, %parallel_loop3A_128 : vector<16xf32>
      %parallel_loop3A_130 = arith.constant 16 : i32
      %parallel_loop3A_131 = arith.muli %parallel_loop3A_95, %parallel_loop3A_130 : i32
      %parallel_loop3A_132 = arith.constant 5 : i32
      %parallel_loop3A_133 = arith.index_cast %parallel_loop3A_132 : i32 to index
      %parallel_loop3A_134 = arith.index_cast %parallel_loop3A_131 : i32 to index
      %parallel_loop3A_135 = tpu.vector_load %arg9[%parallel_loop3A_133, %parallel_loop3A_134] {strides = array<i32>} : memref<16x640xf32, #tpu.memory_space<vmem>>, vector<16xf32>,
      %parallel_loop3A_136 = arith.addf %parallel_loop3A_129, %parallel_loop3A_135 : vector<16xf32>
      %parallel_loop3A_137 = arith.constant 16 : i32
      %parallel_loop3A_138 = arith.muli %parallel_loop3A_95, %parallel_loop3A_137 : i32
      %parallel_loop3A_139 = arith.constant 6 : i32
      %parallel_loop3A_140 = arith.index_cast %parallel_loop3A_139 : i32 to index
      %parallel_loop3A_141 = arith.index_cast %parallel_loop3A_138 : i32 to index
      %parallel_loop3A_142 = tpu.vector_load %arg9[%parallel_loop3A_140, %parallel_loop3A_141] {strides = array<i32>} : memref<16x640xf32, #tpu.memory_space<vmem>>, vector<16xf32>,
      %parallel_loop3A_143 = arith.addf %parallel_loop3A_136, %parallel_loop3A_142 : vector<16xf32>
      %parallel_loop3A_144 = arith.constant 16 : i32
      %parallel_loop3A_145 = arith.muli %parallel_loop3A_95, %parallel_loop3A_144 : i32
      %parallel_loop3A_146 = arith.constant 7 : i32
      %parallel_loop3A_147 = arith.index_cast %parallel_loop3A_146 : i32 to index
      %parallel_loop3A_148 = arith.index_cast %parallel_loop3A_145 : i32 to index
      %parallel_loop3A_149 = tpu.vector_load %arg9[%parallel_loop3A_147, %parallel_loop3A_148] {strides = array<i32>} : memref<16x640xf32, #tpu.memory_space<vmem>>, vector<16xf32>,
      %parallel_loop3A_150 = arith.addf %parallel_loop3A_143, %parallel_loop3A_149 : vector<16xf32>
      %parallel_loop3A_151 = arith.constant 16 : i32
      %parallel_loop3A_152 = arith.muli %parallel_loop3A_95, %parallel_loop3A_151 : i32
      %parallel_loop3A_153 = arith.constant 8 : i32
      %parallel_loop3A_154 = arith.index_cast %parallel_loop3A_153 : i32 to index
      %parallel_loop3A_155 = arith.index_cast %parallel_loop3A_152 : i32 to index
      %parallel_loop3A_156 = tpu.vector_load %arg9[%parallel_loop3A_154, %parallel_loop3A_155] {strides = array<i32>} : memref<16x640xf32, #tpu.memory_space<vmem>>, vector<16xf32>,
      %parallel_loop3A_157 = arith.addf %parallel_loop3A_150, %parallel_loop3A_156 : vector<16xf32>
      %parallel_loop3A_158 = arith.constant 16 : i32
      %parallel_loop3A_159 = arith.muli %parallel_loop3A_95, %parallel_loop3A_158 : i32
      %parallel_loop3A_160 = arith.constant 9 : i32
      %parallel_loop3A_161 = arith.index_cast %parallel_loop3A_160 : i32 to index
      %parallel_loop3A_162 = arith.index_cast %parallel_loop3A_159 : i32 to index
      %parallel_loop3A_163 = tpu.vector_load %arg9[%parallel_loop3A_161, %parallel_loop3A_162] {strides = array<i32>} : memref<16x640xf32, #tpu.memory_space<vmem>>, vector<16xf32>,
      %parallel_loop3A_164 = arith.addf %parallel_loop3A_157, %parallel_loop3A_163 : vector<16xf32>
      %parallel_loop3A_165 = arith.constant 16 : i32
      %parallel_loop3A_166 = arith.muli %parallel_loop3A_95, %parallel_loop3A_165 : i32
      %parallel_loop3A_167 = arith.constant 10 : i32
      %parallel_loop3A_168 = arith.index_cast %parallel_loop3A_167 : i32 to index
      %parallel_loop3A_169 = arith.index_cast %parallel_loop3A_166 : i32 to index
      %parallel_loop3A_170 = tpu.vector_load %arg9[%parallel_loop3A_168, %parallel_loop3A_169] {strides = array<i32>} : memref<16x640xf32, #tpu.memory_space<vmem>>, vector<16xf32>,
      %parallel_loop3A_171 = arith.addf %parallel_loop3A_164, %parallel_loop3A_170 : vector<16xf32>
      %parallel_loop3A_172 = arith.constant 16 : i32
      %parallel_loop3A_173 = arith.muli %parallel_loop3A_95, %parallel_loop3A_172 : i32
      %parallel_loop3A_174 = arith.constant 11 : i32
      %parallel_loop3A_175 = arith.index_cast %parallel_loop3A_174 : i32 to index
      %parallel_loop3A_176 = arith.index_cast %parallel_loop3A_173 : i32 to index
      %parallel_loop3A_177 = tpu.vector_load %arg9[%parallel_loop3A_175, %parallel_loop3A_176] {strides = array<i32>} : memref<16x640xf32, #tpu.memory_space<vmem>>, vector<16xf32>,
      %parallel_loop3A_178 = arith.addf %parallel_loop3A_171, %parallel_loop3A_177 : vector<16xf32>
      %parallel_loop3A_179 = arith.constant 16 : i32
      %parallel_loop3A_180 = arith.muli %parallel_loop3A_95, %parallel_loop3A_179 : i32
      %parallel_loop3A_181 = arith.constant 12 : i32
      %parallel_loop3A_182 = arith.index_cast %parallel_loop3A_181 : i32 to index
      %parallel_loop3A_183 = arith.index_cast %parallel_loop3A_180 : i32 to index
      %parallel_loop3A_184 = tpu.vector_load %arg9[%parallel_loop3A_182, %parallel_loop3A_183] {strides = array<i32>} : memref<16x640xf32, #tpu.memory_space<vmem>>, vector<16xf32>,
      %parallel_loop3A_185 = arith.addf %parallel_loop3A_178, %parallel_loop3A_184 : vector<16xf32>
      %parallel_loop3A_186 = arith.constant 16 : i32
      %parallel_loop3A_187 = arith.muli %parallel_loop3A_95, %parallel_loop3A_186 : i32
      %parallel_loop3A_188 = arith.constant 13 : i32
      %parallel_loop3A_189 = arith.index_cast %parallel_loop3A_188 : i32 to index
      %parallel_loop3A_190 = arith.index_cast %parallel_loop3A_187 : i32 to index
      %parallel_loop3A_191 = tpu.vector_load %arg9[%parallel_loop3A_189, %parallel_loop3A_190] {strides = array<i32>} : memref<16x640xf32, #tpu.memory_space<vmem>>, vector<16xf32>,
      %parallel_loop3A_192 = arith.addf %parallel_loop3A_185, %parallel_loop3A_191 : vector<16xf32>
      %parallel_loop3A_193 = arith.constant 16 : i32
      %parallel_loop3A_194 = arith.muli %parallel_loop3A_95, %parallel_loop3A_193 : i32
      %parallel_loop3A_195 = arith.constant 14 : i32
      %parallel_loop3A_196 = arith.index_cast %parallel_loop3A_195 : i32 to index
      %parallel_loop3A_197 = arith.index_cast %parallel_loop3A_194 : i32 to index
      %parallel_loop3A_198 = tpu.vector_load %arg9[%parallel_loop3A_196, %parallel_loop3A_197] {strides = array<i32>} : memref<16x640xf32, #tpu.memory_space<vmem>>, vector<16xf32>,
      %parallel_loop3A_199 = arith.addf %parallel_loop3A_192, %parallel_loop3A_198 : vector<16xf32>
      %parallel_loop3A_200 = arith.constant 16 : i32
      %parallel_loop3A_201 = arith.muli %parallel_loop3A_95, %parallel_loop3A_200 : i32
      %parallel_loop3A_202 = arith.constant 15 : i32
      %parallel_loop3A_203 = arith.index_cast %parallel_loop3A_202 : i32 to index
      %parallel_loop3A_204 = arith.index_cast %parallel_loop3A_201 : i32 to index
      %parallel_loop3A_205 = tpu.vector_load %arg9[%parallel_loop3A_203, %parallel_loop3A_204] {strides = array<i32>} : memref<16x640xf32, #tpu.memory_space<vmem>>, vector<16xf32>,
      %parallel_loop3A_206 = arith.addf %parallel_loop3A_199, %parallel_loop3A_205 : vector<16xf32>
      %parallel_loop3A_207 = arith.constant 16 : i32
      %parallel_loop3A_208 = arith.muli %parallel_loop3A_95, %parallel_loop3A_207 : i32
      %parallel_loop3A_209 = arith.addi %mul3A_2, %parallel_loop3A_208 : i32
      %parallel_loop3A_210 = arith.index_cast %parallel_loop3A_209 : i32 to index
      %parallel_loop3A_211 = tpu.vector_load %arg6[%parallel_loop3A_210] {strides = array<i32>} : memref<10240xf32, #tpu.memory_space<vmem>>, vector<16xf32>,
      %parallel_loop3A_212 = arith.addf %parallel_loop3A_206, %parallel_loop3A_211 : vector<16xf32>
      %parallel_loop3A_213 = arith.constant 16 : i32
      %parallel_loop3A_214 = arith.muli %parallel_loop3A_95, %parallel_loop3A_213 : i32
      %parallel_loop3A_215 = arith.addi %mul3A_2, %parallel_loop3A_214 : i32
      %parallel_loop3A_216 = arith.index_cast %parallel_loop3A_215 : i32 to index
      %parallel_loop3A_217 = tpu.vector_load %arg8[%parallel_loop3A_216] {strides = array<i32>} : memref<10240xf32, #tpu.memory_space<vmem>>, vector<16xf32>,
      %parallel_loop3A_218 = arith.mulf %parallel_loop3A_217, %parallel_loop3A_217 : vector<16xf32>
      %parallel_loop3A_219 = arith.mulf %parallel_loop3A_212, %parallel_loop3A_218 : vector<16xf32>
      %parallel_loop3A_220 = arith.constant 16 : i32
      %parallel_loop3A_221 = arith.muli %parallel_loop3A_95, %parallel_loop3A_220 : i32
      %parallel_loop3A_222 = arith.constant 0 : i32
      %parallel_loop3A_223 = arith.index_cast %parallel_loop3A_222 : i32 to index
      %parallel_loop3A_224 = arith.index_cast %parallel_loop3A_221 : i32 to index
      %parallel_loop3A_225 = tpu.vector_load %arg9[%parallel_loop3A_223, %parallel_loop3A_224] {strides = array<i32>} : memref<16x640xf32, #tpu.memory_space<vmem>>, vector<16xf32>,
      tpu.vector_store %arg9[%parallel_loop3A_223, %parallel_loop3A_224], %parallel_loop3A_219 {strides = array<i32>} : memref<16x640xf32, #tpu.memory_space<vmem>>, vector<16xf32>,
    } {sc.loop_unroll_factor = 2 : i64, sc.parallel_access}
    %run_scoped3A_77 = arith.constant 0 : i32
    "tpu.region"() ({
      %run_scoped3A_95 = tpu.sem_alloc : memref<!tpu.dma_semaphore, #tpu.memory_space<semaphore_mem>>
      %dma_start3A_96 = arith.constant 0 : i32
      %dma_start3A_97 = tpu.memref_slice %arg9[%run_scoped3A_77, %dma_start3A_96] : memref<16x640xf32, #tpu.memory_space<vmem>> -> memref<1x640xf32, #tpu.memory_space<vmem>>
      %dma_start3A_98 = tpu.memref_squeeze %dma_start3A_97 : memref<1x640xf32, #tpu.memory_space<vmem>> -> memref<640xf32, #tpu.memory_space<vmem>>
      %dma_start3A_99 = tpu.memref_slice %arg11[%mul3A_2] : memref<10240xf32, #tpu.memory_space<vmem_shared>> -> memref<640xf32, #tpu.memory_space<vmem_shared>>
      %dma_start3A_100 = tpu.memref_slice %arg11[%mul3A_2] : memref<10240xf32, #tpu.memory_space<vmem_shared>> -> memref<640xf32, #tpu.memory_space<vmem_shared>>
      %dma_start3A_101 = arith.constant 0 : i32
      %dma_start3A_102 = tpu.memref_slice %arg9[%run_scoped3A_77, %dma_start3A_101] : memref<16x640xf32, #tpu.memory_space<vmem>> -> memref<1x640xf32, #tpu.memory_space<vmem>>
      %dma_start3A_103 = tpu.memref_squeeze %dma_start3A_102 : memref<1x640xf32, #tpu.memory_space<vmem>> -> memref<640xf32, #tpu.memory_space<vmem>>
      tpu.enqueue_dma source(%dma_start3A_103 : memref<640xf32, #tpu.memory_space<vmem>>) target(%dma_start3A_100 : memref<640xf32, #tpu.memory_space<vmem_shared>>) target_semaphore(%run_scoped3A_95 : memref<!tpu.dma_semaphore, #tpu.memory_space<semaphore_mem>>)
      %dma_wait3A_104 = arith.constant 0 : i32
      %dma_wait3A_105 = tpu.memref_slice %arg9[%run_scoped3A_77, %dma_wait3A_104] : memref<16x640xf32, #tpu.memory_space<vmem>> -> memref<1x640xf32, #tpu.memory_space<vmem>>
      %dma_wait3A_106 = tpu.memref_squeeze %dma_wait3A_105 : memref<1x640xf32, #tpu.memory_space<vmem>> -> memref<640xf32, #tpu.memory_space<vmem>>
      %dma_wait3A_107 = tpu.memref_slice %arg11[%mul3A_2] : memref<10240xf32, #tpu.memory_space<vmem_shared>> -> memref<640xf32, #tpu.memory_space<vmem_shared>>
      %dma_wait3A_108 = tpu.memref_slice %arg11[%mul3A_2] : memref<10240xf32, #tpu.memory_space<vmem_shared>> -> memref<640xf32, #tpu.memory_space<vmem_shared>>
      %dma_wait3A_109 = arith.constant 0 : i32
      %dma_wait3A_110 = tpu.memref_slice %arg9[%run_scoped3A_77, %dma_wait3A_109] : memref<16x640xf32, #tpu.memory_space<vmem>> -> memref<1x640xf32, #tpu.memory_space<vmem>>
      %dma_wait3A_111 = tpu.memref_squeeze %dma_wait3A_110 : memref<1x640xf32, #tpu.memory_space<vmem>> -> memref<640xf32, #tpu.memory_space<vmem>>
      tpu.wait_dma2 semaphore(%run_scoped3A_95 : memref<!tpu.dma_semaphore, #tpu.memory_space<semaphore_mem>>) src(%dma_wait3A_111 : memref<640xf32, #tpu.memory_space<vmem>>) dst(%dma_wait3A_108 : memref<640xf32, #tpu.memory_space<vmem_shared>>)
      tpu.yield
    }) : () -> ()
    %barrier3A_78 = arith.constant 0 : index
    tpu.barrier barrier_id(%barrier3A_78)
    "tpu.region"() ({
      %run_scoped3A_95 = tpu.sem_alloc : memref<!tpu.dma_semaphore, #tpu.memory_space<semaphore_mem>>
      tpu.enqueue_dma source(%arg11 : memref<10240xf32, #tpu.memory_space<vmem_shared>>) target(%arg6 : memref<10240xf32, #tpu.memory_space<vmem>>) target_semaphore(%run_scoped3A_95 : memref<!tpu.dma_semaphore, #tpu.memory_space<semaphore_mem>>)
      tpu.wait_dma2 semaphore(%run_scoped3A_95 : memref<!tpu.dma_semaphore, #tpu.memory_space<semaphore_mem>>) src(%arg11 : memref<10240xf32, #tpu.memory_space<vmem_shared>>) dst(%arg6 : memref<10240xf32, #tpu.memory_space<vmem>>)
      tpu.yield
    }) : () -> ()
    %parallel_loop3A_79 = arith.constant 0 : i32
    %parallel_loop3A_80 = arith.constant 1250 : i32
    %parallel_loop3A_81 = arith.constant 1 : i32
    scf.for %parallel_loop3A_95 = %parallel_loop3A_79 to %parallel_loop3A_80 step %parallel_loop3A_81  : i32 {
      %parallel_loop3A_96 = arith.constant 16 : i32
      %parallel_loop3A_97 = arith.muli %parallel_loop3A_95, %parallel_loop3A_96 : i32
      %parallel_loop3A_98 = arith.addi %select_n3A_10, %parallel_loop3A_97 : i32
      %parallel_loop3A_99 = arith.constant 0 : i32
      %parallel_loop3A_100 = arith.index_cast %parallel_loop3A_99 : i32 to index
      %parallel_loop3A_101 = arith.index_cast %parallel_loop3A_98 : i32 to index
      %parallel_loop3A_102 = tpu.vector_load %arg5[%parallel_loop3A_100, %parallel_loop3A_101] {strides = array<i32>} : memref<2x20096xi32, #tpu.memory_space<vmem>>, vector<16xi32>,
      %parallel_loop3A_103 = arith.constant 1 : i32
      %parallel_loop3A_104 = arith.index_cast %parallel_loop3A_103 : i32 to index
      %parallel_loop3A_105 = arith.index_cast %parallel_loop3A_98 : i32 to index
      %parallel_loop3A_106 = tpu.vector_load %arg5[%parallel_loop3A_104, %parallel_loop3A_105] {strides = array<i32>} : memref<2x20096xi32, #tpu.memory_space<vmem>>, vector<16xi32>,
      %parallel_loop3A_107 = tpu.vector_load_idx %arg6[%parallel_loop3A_102] : memref<10240xf32, #tpu.memory_space<vmem>>[vector<16xi32>], vector<16xf32>,
      tpu.vector_store_idx %arg7[%parallel_loop3A_106], %parallel_loop3A_107 {add = true} : memref<10240xf32, #tpu.memory_space<vmem>>[vector<16xi32>], vector<16xf32>,
    } {sc.loop_unroll_factor = 16 : i64, sc.parallel_access}
    "tpu.region"() ({
      %run_scoped3A_95 = tpu.sem_alloc : memref<!tpu.dma_semaphore, #tpu.memory_space<semaphore_mem>>
      %dma_start3A_96 = arith.constant 0 : i32
      %dma_start3A_97 = tpu.memref_slice %arg10[%arg1, %dma_start3A_96] : memref<16x10240xf32, #tpu.memory_space<vmem_shared>> -> memref<1x10240xf32, #tpu.memory_space<vmem_shared>>
      %dma_start3A_98 = tpu.memref_squeeze %dma_start3A_97 : memref<1x10240xf32, #tpu.memory_space<vmem_shared>> -> memref<10240xf32, #tpu.memory_space<vmem_shared>>
      %dma_start3A_99 = arith.constant 0 : i32
      %dma_start3A_100 = tpu.memref_slice %arg10[%arg1, %dma_start3A_99] : memref<16x10240xf32, #tpu.memory_space<vmem_shared>> -> memref<1x10240xf32, #tpu.memory_space<vmem_shared>>
      %dma_start3A_101 = tpu.memref_squeeze %dma_start3A_100 : memref<1x10240xf32, #tpu.memory_space<vmem_shared>> -> memref<10240xf32, #tpu.memory_space<vmem_shared>>
      tpu.enqueue_dma source(%arg7 : memref<10240xf32, #tpu.memory_space<vmem>>) target(%dma_start3A_101 : memref<10240xf32, #tpu.memory_space<vmem_shared>>) target_semaphore(%run_scoped3A_95 : memref<!tpu.dma_semaphore, #tpu.memory_space<semaphore_mem>>)
      %dma_wait3A_102 = arith.constant 0 : i32
      %dma_wait3A_103 = tpu.memref_slice %arg10[%arg1, %dma_wait3A_102] : memref<16x10240xf32, #tpu.memory_space<vmem_shared>> -> memref<1x10240xf32, #tpu.memory_space<vmem_shared>>
      %dma_wait3A_104 = tpu.memref_squeeze %dma_wait3A_103 : memref<1x10240xf32, #tpu.memory_space<vmem_shared>> -> memref<10240xf32, #tpu.memory_space<vmem_shared>>
      %dma_wait3A_105 = arith.constant 0 : i32
      %dma_wait3A_106 = tpu.memref_slice %arg10[%arg1, %dma_wait3A_105] : memref<16x10240xf32, #tpu.memory_space<vmem_shared>> -> memref<1x10240xf32, #tpu.memory_space<vmem_shared>>
      %dma_wait3A_107 = tpu.memref_squeeze %dma_wait3A_106 : memref<1x10240xf32, #tpu.memory_space<vmem_shared>> -> memref<10240xf32, #tpu.memory_space<vmem_shared>>
      tpu.wait_dma2 semaphore(%run_scoped3A_95 : memref<!tpu.dma_semaphore, #tpu.memory_space<semaphore_mem>>) src(%arg7 : memref<10240xf32, #tpu.memory_space<vmem>>) dst(%dma_wait3A_107 : memref<10240xf32, #tpu.memory_space<vmem_shared>>)
      tpu.yield
    }) : () -> ()
    %barrier3A_82 = arith.constant 0 : index
    tpu.barrier barrier_id(%barrier3A_82)
    %dma_start3A_83 = arith.constant 0 : i32
    %dma_start3A_84 = tpu.memref_slice %arg10[%dma_start3A_83, %mul3A_2] : memref<16x10240xf32, #tpu.memory_space<vmem_shared>> -> memref<16x640xf32, #tpu.memory_space<vmem_shared>>
    %dma_start3A_85 = arith.constant 0 : i32
    %dma_start3A_86 = tpu.memref_slice %arg10[%dma_start3A_85, %mul3A_2] : memref<16x10240xf32, #tpu.memory_space<vmem_shared>> -> memref<16x640xf32, #tpu.memory_space<vmem_shared>>
    tpu.enqueue_dma source(%dma_start3A_86 : memref<16x640xf32, #tpu.memory_space<vmem_shared>>) target(%arg9 : memref<16x640xf32, #tpu.memory_space<vmem>>) target_semaphore(%arg12 : memref<!tpu.dma_semaphore, #tpu.memory_space<semaphore_mem>>)
    %dma_wait3A_87 = arith.constant 0 : i32
    %dma_wait3A_88 = tpu.memref_slice %arg10[%dma_wait3A_87, %mul3A_2] : memref<16x10240xf32, #tpu.memory_space<vmem_shared>> -> memref<16x640xf32, #tpu.memory_space<vmem_shared>>
    %dma_wait3A_89 = arith.constant 0 : i32
    %dma_wait3A_90 = tpu.memref_slice %arg10[%dma_wait3A_89, %mul3A_2] : memref<16x10240xf32, #tpu.memory_space<vmem_shared>> -> memref<16x640xf32, #tpu.memory_space<vmem_shared>>
    tpu.wait_dma2 semaphore(%arg12 : memref<!tpu.dma_semaphore, #tpu.memory_space<semaphore_mem>>) src(%dma_wait3A_90 : memref<16x640xf32, #tpu.memory_space<vmem_shared>>) dst(%arg9 : memref<16x640xf32, #tpu.memory_space<vmem>>)
    %parallel_loop3A_91 = arith.constant 0 : i32
    %parallel_loop3A_92 = arith.constant 40 : i32
    %parallel_loop3A_93 = arith.constant 1 : i32
    scf.for %parallel_loop3A_95 = %parallel_loop3A_91 to %parallel_loop3A_92 step %parallel_loop3A_93  : i32 {
      %parallel_loop3A_96 = arith.constant 16 : i32
      %parallel_loop3A_97 = arith.muli %parallel_loop3A_95, %parallel_loop3A_96 : i32
      %parallel_loop3A_98 = arith.constant 0 : i32
      %parallel_loop3A_99 = arith.index_cast %parallel_loop3A_98 : i32 to index
      %parallel_loop3A_100 = arith.index_cast %parallel_loop3A_97 : i32 to index
      %parallel_loop3A_101 = tpu.vector_load %arg9[%parallel_loop3A_99, %parallel_loop3A_100] {strides = array<i32>} : memref<16x640xf32, #tpu.memory_space<vmem>>, vector<16xf32>,
      %parallel_loop3A_102 = arith.constant 16 : i32
      %parallel_loop3A_103 = arith.muli %parallel_loop3A_95, %parallel_loop3A_102 : i32
      %parallel_loop3A_104 = arith.constant 1 : i32
      %parallel_loop3A_105 = arith.index_cast %parallel_loop3A_104 : i32 to index
      %parallel_loop3A_106 = arith.index_cast %parallel_loop3A_103 : i32 to index
      %parallel_loop3A_107 = tpu.vector_load %arg9[%parallel_loop3A_105, %parallel_loop3A_106] {strides = array<i32>} : memref<16x640xf32, #tpu.memory_space<vmem>>, vector<16xf32>,
      %parallel_loop3A_108 = arith.addf %parallel_loop3A_101, %parallel_loop3A_107 : vector<16xf32>
      %parallel_loop3A_109 = arith.constant 16 : i32
      %parallel_loop3A_110 = arith.muli %parallel_loop3A_95, %parallel_loop3A_109 : i32
      %parallel_loop3A_111 = arith.constant 2 : i32
      %parallel_loop3A_112 = arith.index_cast %parallel_loop3A_111 : i32 to index
      %parallel_loop3A_113 = arith.index_cast %parallel_loop3A_110 : i32 to index
      %parallel_loop3A_114 = tpu.vector_load %arg9[%parallel_loop3A_112, %parallel_loop3A_113] {strides = array<i32>} : memref<16x640xf32, #tpu.memory_space<vmem>>, vector<16xf32>,
      %parallel_loop3A_115 = arith.addf %parallel_loop3A_108, %parallel_loop3A_114 : vector<16xf32>
      %parallel_loop3A_116 = arith.constant 16 : i32
      %parallel_loop3A_117 = arith.muli %parallel_loop3A_95, %parallel_loop3A_116 : i32
      %parallel_loop3A_118 = arith.constant 3 : i32
      %parallel_loop3A_119 = arith.index_cast %parallel_loop3A_118 : i32 to index
      %parallel_loop3A_120 = arith.index_cast %parallel_loop3A_117 : i32 to index
      %parallel_loop3A_121 = tpu.vector_load %arg9[%parallel_loop3A_119, %parallel_loop3A_120] {strides = array<i32>} : memref<16x640xf32, #tpu.memory_space<vmem>>, vector<16xf32>,
      %parallel_loop3A_122 = arith.addf %parallel_loop3A_115, %parallel_loop3A_121 : vector<16xf32>
      %parallel_loop3A_123 = arith.constant 16 : i32
      %parallel_loop3A_124 = arith.muli %parallel_loop3A_95, %parallel_loop3A_123 : i32
      %parallel_loop3A_125 = arith.constant 4 : i32
      %parallel_loop3A_126 = arith.index_cast %parallel_loop3A_125 : i32 to index
      %parallel_loop3A_127 = arith.index_cast %parallel_loop3A_124 : i32 to index
      %parallel_loop3A_128 = tpu.vector_load %arg9[%parallel_loop3A_126, %parallel_loop3A_127] {strides = array<i32>} : memref<16x640xf32, #tpu.memory_space<vmem>>, vector<16xf32>,
      %parallel_loop3A_129 = arith.addf %parallel_loop3A_122, %parallel_loop3A_128 : vector<16xf32>
      %parallel_loop3A_130 = arith.constant 16 : i32
      %parallel_loop3A_131 = arith.muli %parallel_loop3A_95, %parallel_loop3A_130 : i32
      %parallel_loop3A_132 = arith.constant 5 : i32
      %parallel_loop3A_133 = arith.index_cast %parallel_loop3A_132 : i32 to index
      %parallel_loop3A_134 = arith.index_cast %parallel_loop3A_131 : i32 to index
      %parallel_loop3A_135 = tpu.vector_load %arg9[%parallel_loop3A_133, %parallel_loop3A_134] {strides = array<i32>} : memref<16x640xf32, #tpu.memory_space<vmem>>, vector<16xf32>,
      %parallel_loop3A_136 = arith.addf %parallel_loop3A_129, %parallel_loop3A_135 : vector<16xf32>
      %parallel_loop3A_137 = arith.constant 16 : i32
      %parallel_loop3A_138 = arith.muli %parallel_loop3A_95, %parallel_loop3A_137 : i32
      %parallel_loop3A_139 = arith.constant 6 : i32
      %parallel_loop3A_140 = arith.index_cast %parallel_loop3A_139 : i32 to index
      %parallel_loop3A_141 = arith.index_cast %parallel_loop3A_138 : i32 to index
      %parallel_loop3A_142 = tpu.vector_load %arg9[%parallel_loop3A_140, %parallel_loop3A_141] {strides = array<i32>} : memref<16x640xf32, #tpu.memory_space<vmem>>, vector<16xf32>,
      %parallel_loop3A_143 = arith.addf %parallel_loop3A_136, %parallel_loop3A_142 : vector<16xf32>
      %parallel_loop3A_144 = arith.constant 16 : i32
      %parallel_loop3A_145 = arith.muli %parallel_loop3A_95, %parallel_loop3A_144 : i32
      %parallel_loop3A_146 = arith.constant 7 : i32
      %parallel_loop3A_147 = arith.index_cast %parallel_loop3A_146 : i32 to index
      %parallel_loop3A_148 = arith.index_cast %parallel_loop3A_145 : i32 to index
      %parallel_loop3A_149 = tpu.vector_load %arg9[%parallel_loop3A_147, %parallel_loop3A_148] {strides = array<i32>} : memref<16x640xf32, #tpu.memory_space<vmem>>, vector<16xf32>,
      %parallel_loop3A_150 = arith.addf %parallel_loop3A_143, %parallel_loop3A_149 : vector<16xf32>
      %parallel_loop3A_151 = arith.constant 16 : i32
      %parallel_loop3A_152 = arith.muli %parallel_loop3A_95, %parallel_loop3A_151 : i32
      %parallel_loop3A_153 = arith.constant 8 : i32
      %parallel_loop3A_154 = arith.index_cast %parallel_loop3A_153 : i32 to index
      %parallel_loop3A_155 = arith.index_cast %parallel_loop3A_152 : i32 to index
      %parallel_loop3A_156 = tpu.vector_load %arg9[%parallel_loop3A_154, %parallel_loop3A_155] {strides = array<i32>} : memref<16x640xf32, #tpu.memory_space<vmem>>, vector<16xf32>,
      %parallel_loop3A_157 = arith.addf %parallel_loop3A_150, %parallel_loop3A_156 : vector<16xf32>
      %parallel_loop3A_158 = arith.constant 16 : i32
      %parallel_loop3A_159 = arith.muli %parallel_loop3A_95, %parallel_loop3A_158 : i32
      %parallel_loop3A_160 = arith.constant 9 : i32
      %parallel_loop3A_161 = arith.index_cast %parallel_loop3A_160 : i32 to index
      %parallel_loop3A_162 = arith.index_cast %parallel_loop3A_159 : i32 to index
      %parallel_loop3A_163 = tpu.vector_load %arg9[%parallel_loop3A_161, %parallel_loop3A_162] {strides = array<i32>} : memref<16x640xf32, #tpu.memory_space<vmem>>, vector<16xf32>,
      %parallel_loop3A_164 = arith.addf %parallel_loop3A_157, %parallel_loop3A_163 : vector<16xf32>
      %parallel_loop3A_165 = arith.constant 16 : i32
      %parallel_loop3A_166 = arith.muli %parallel_loop3A_95, %parallel_loop3A_165 : i32
      %parallel_loop3A_167 = arith.constant 10 : i32
      %parallel_loop3A_168 = arith.index_cast %parallel_loop3A_167 : i32 to index
      %parallel_loop3A_169 = arith.index_cast %parallel_loop3A_166 : i32 to index
      %parallel_loop3A_170 = tpu.vector_load %arg9[%parallel_loop3A_168, %parallel_loop3A_169] {strides = array<i32>} : memref<16x640xf32, #tpu.memory_space<vmem>>, vector<16xf32>,
      %parallel_loop3A_171 = arith.addf %parallel_loop3A_164, %parallel_loop3A_170 : vector<16xf32>
      %parallel_loop3A_172 = arith.constant 16 : i32
      %parallel_loop3A_173 = arith.muli %parallel_loop3A_95, %parallel_loop3A_172 : i32
      %parallel_loop3A_174 = arith.constant 11 : i32
      %parallel_loop3A_175 = arith.index_cast %parallel_loop3A_174 : i32 to index
      %parallel_loop3A_176 = arith.index_cast %parallel_loop3A_173 : i32 to index
      %parallel_loop3A_177 = tpu.vector_load %arg9[%parallel_loop3A_175, %parallel_loop3A_176] {strides = array<i32>} : memref<16x640xf32, #tpu.memory_space<vmem>>, vector<16xf32>,
      %parallel_loop3A_178 = arith.addf %parallel_loop3A_171, %parallel_loop3A_177 : vector<16xf32>
      %parallel_loop3A_179 = arith.constant 16 : i32
      %parallel_loop3A_180 = arith.muli %parallel_loop3A_95, %parallel_loop3A_179 : i32
      %parallel_loop3A_181 = arith.constant 12 : i32
      %parallel_loop3A_182 = arith.index_cast %parallel_loop3A_181 : i32 to index
      %parallel_loop3A_183 = arith.index_cast %parallel_loop3A_180 : i32 to index
      %parallel_loop3A_184 = tpu.vector_load %arg9[%parallel_loop3A_182, %parallel_loop3A_183] {strides = array<i32>} : memref<16x640xf32, #tpu.memory_space<vmem>>, vector<16xf32>,
      %parallel_loop3A_185 = arith.addf %parallel_loop3A_178, %parallel_loop3A_184 : vector<16xf32>
      %parallel_loop3A_186 = arith.constant 16 : i32
      %parallel_loop3A_187 = arith.muli %parallel_loop3A_95, %parallel_loop3A_186 : i32
      %parallel_loop3A_188 = arith.constant 13 : i32
      %parallel_loop3A_189 = arith.index_cast %parallel_loop3A_188 : i32 to index
      %parallel_loop3A_190 = arith.index_cast %parallel_loop3A_187 : i32 to index
      %parallel_loop3A_191 = tpu.vector_load %arg9[%parallel_loop3A_189, %parallel_loop3A_190] {strides = array<i32>} : memref<16x640xf32, #tpu.memory_space<vmem>>, vector<16xf32>,
      %parallel_loop3A_192 = arith.addf %parallel_loop3A_185, %parallel_loop3A_191 : vector<16xf32>
      %parallel_loop3A_193 = arith.constant 16 : i32
      %parallel_loop3A_194 = arith.muli %parallel_loop3A_95, %parallel_loop3A_193 : i32
      %parallel_loop3A_195 = arith.constant 14 : i32
      %parallel_loop3A_196 = arith.index_cast %parallel_loop3A_195 : i32 to index
      %parallel_loop3A_197 = arith.index_cast %parallel_loop3A_194 : i32 to index
      %parallel_loop3A_198 = tpu.vector_load %arg9[%parallel_loop3A_196, %parallel_loop3A_197] {strides = array<i32>} : memref<16x640xf32, #tpu.memory_space<vmem>>, vector<16xf32>,
      %parallel_loop3A_199 = arith.addf %parallel_loop3A_192, %parallel_loop3A_198 : vector<16xf32>
      %parallel_loop3A_200 = arith.constant 16 : i32
      %parallel_loop3A_201 = arith.muli %parallel_loop3A_95, %parallel_loop3A_200 : i32
      %parallel_loop3A_202 = arith.constant 15 : i32
      %parallel_loop3A_203 = arith.index_cast %parallel_loop3A_202 : i32 to index
      %parallel_loop3A_204 = arith.index_cast %parallel_loop3A_201 : i32 to index
      %parallel_loop3A_205 = tpu.vector_load %arg9[%parallel_loop3A_203, %parallel_loop3A_204] {strides = array<i32>} : memref<16x640xf32, #tpu.memory_space<vmem>>, vector<16xf32>,
      %parallel_loop3A_206 = arith.addf %parallel_loop3A_199, %parallel_loop3A_205 : vector<16xf32>
      %parallel_loop3A_207 = arith.constant 16 : i32
      %parallel_loop3A_208 = arith.muli %parallel_loop3A_95, %parallel_loop3A_207 : i32
      %parallel_loop3A_209 = arith.addi %mul3A_2, %parallel_loop3A_208 : i32
      %parallel_loop3A_210 = arith.index_cast %parallel_loop3A_209 : i32 to index
      %parallel_loop3A_211 = tpu.vector_load %arg6[%parallel_loop3A_210] {strides = array<i32>} : memref<10240xf32, #tpu.memory_space<vmem>>, vector<16xf32>,
      %parallel_loop3A_212 = arith.addf %parallel_loop3A_206, %parallel_loop3A_211 : vector<16xf32>
      %parallel_loop3A_213 = arith.constant 16 : i32
      %parallel_loop3A_214 = arith.muli %parallel_loop3A_95, %parallel_loop3A_213 : i32
      %parallel_loop3A_215 = arith.addi %mul3A_2, %parallel_loop3A_214 : i32
      %parallel_loop3A_216 = arith.index_cast %parallel_loop3A_215 : i32 to index
      %parallel_loop3A_217 = tpu.vector_load %arg8[%parallel_loop3A_216] {strides = array<i32>} : memref<10240xf32, #tpu.memory_space<vmem>>, vector<16xf32>,
      %parallel_loop3A_218 = arith.mulf %parallel_loop3A_212, %parallel_loop3A_217 : vector<16xf32>
      %parallel_loop3A_219 = arith.constant 16 : i32
      %parallel_loop3A_220 = arith.muli %parallel_loop3A_95, %parallel_loop3A_219 : i32
      %parallel_loop3A_221 = arith.constant 0 : i32
      %parallel_loop3A_222 = arith.index_cast %parallel_loop3A_221 : i32 to index
      %parallel_loop3A_223 = arith.index_cast %parallel_loop3A_220 : i32 to index
      %parallel_loop3A_224 = tpu.vector_load %arg9[%parallel_loop3A_222, %parallel_loop3A_223] {strides = array<i32>} : memref<16x640xf32, #tpu.memory_space<vmem>>, vector<16xf32>,
      tpu.vector_store %arg9[%parallel_loop3A_222, %parallel_loop3A_223], %parallel_loop3A_218 {strides = array<i32>} : memref<16x640xf32, #tpu.memory_space<vmem>>, vector<16xf32>,
    } {sc.loop_unroll_factor = 2 : i64, sc.parallel_access}
    %run_scoped3A_94 = arith.constant 0 : i32
    "tpu.region"() ({
      %run_scoped3A_95 = tpu.sem_alloc : memref<!tpu.dma_semaphore, #tpu.memory_space<semaphore_mem>>
      %dma_start3A_96 = arith.constant 0 : i32
      %dma_start3A_97 = tpu.memref_slice %arg9[%run_scoped3A_94, %dma_start3A_96] : memref<16x640xf32, #tpu.memory_space<vmem>> -> memref<1x640xf32, #tpu.memory_space<vmem>>
      %dma_start3A_98 = tpu.memref_squeeze %dma_start3A_97 : memref<1x640xf32, #tpu.memory_space<vmem>> -> memref<640xf32, #tpu.memory_space<vmem>>
      %dma_start3A_99 = tpu.memref_slice %arg4[%arg0, %mul3A_2] : memref<2x10240xf32, #tpu.memory_space<hbm>> -> memref<1x640xf32, #tpu.memory_space<hbm>>
      %dma_start3A_100 = tpu.memref_squeeze %dma_start3A_99 : memref<1x640xf32, #tpu.memory_space<hbm>> -> memref<640xf32, #tpu.memory_space<hbm>>
      %dma_start3A_101 = tpu.memref_slice %arg4[%arg0, %mul3A_2] : memref<2x10240xf32, #tpu.memory_space<hbm>> -> memref<1x640xf32, #tpu.memory_space<hbm>>
      %dma_start3A_102 = tpu.memref_squeeze %dma_start3A_101 : memref<1x640xf32, #tpu.memory_space<hbm>> -> memref<640xf32, #tpu.memory_space<hbm>>
      %dma_start3A_103 = arith.constant 0 : i32
      %dma_start3A_104 = tpu.memref_slice %arg9[%run_scoped3A_94, %dma_start3A_103] : memref<16x640xf32, #tpu.memory_space<vmem>> -> memref<1x640xf32, #tpu.memory_space<vmem>>
      %dma_start3A_105 = tpu.memref_squeeze %dma_start3A_104 : memref<1x640xf32, #tpu.memory_space<vmem>> -> memref<640xf32, #tpu.memory_space<vmem>>
      tpu.enqueue_dma source(%dma_start3A_105 : memref<640xf32, #tpu.memory_space<vmem>>) target(%dma_start3A_102 : memref<640xf32, #tpu.memory_space<hbm>>) target_semaphore(%run_scoped3A_95 : memref<!tpu.dma_semaphore, #tpu.memory_space<semaphore_mem>>)
      %dma_wait3A_106 = arith.constant 0 : i32
      %dma_wait3A_107 = tpu.memref_slice %arg9[%run_scoped3A_94, %dma_wait3A_106] : memref<16x640xf32, #tpu.memory_space<vmem>> -> memref<1x640xf32, #tpu.memory_space<vmem>>
      %dma_wait3A_108 = tpu.memref_squeeze %dma_wait3A_107 : memref<1x640xf32, #tpu.memory_space<vmem>> -> memref<640xf32, #tpu.memory_space<vmem>>
      %dma_wait3A_109 = tpu.memref_slice %arg4[%arg0, %mul3A_2] : memref<2x10240xf32, #tpu.memory_space<hbm>> -> memref<1x640xf32, #tpu.memory_space<hbm>>
      %dma_wait3A_110 = tpu.memref_squeeze %dma_wait3A_109 : memref<1x640xf32, #tpu.memory_space<hbm>> -> memref<640xf32, #tpu.memory_space<hbm>>
      %dma_wait3A_111 = tpu.memref_slice %arg4[%arg0, %mul3A_2] : memref<2x10240xf32, #tpu.memory_space<hbm>> -> memref<1x640xf32, #tpu.memory_space<hbm>>
      %dma_wait3A_112 = tpu.memref_squeeze %dma_wait3A_111 : memref<1x640xf32, #tpu.memory_space<hbm>> -> memref<640xf32, #tpu.memory_space<hbm>>
      %dma_wait3A_113 = arith.constant 0 : i32
      %dma_wait3A_114 = tpu.memref_slice %arg9[%run_scoped3A_94, %dma_wait3A_113] : memref<16x640xf32, #tpu.memory_space<vmem>> -> memref<1x640xf32, #tpu.memory_space<vmem>>
      %dma_wait3A_115 = tpu.memref_squeeze %dma_wait3A_114 : memref<1x640xf32, #tpu.memory_space<vmem>> -> memref<640xf32, #tpu.memory_space<vmem>>
      tpu.wait_dma2 semaphore(%run_scoped3A_95 : memref<!tpu.dma_semaphore, #tpu.memory_space<semaphore_mem>>) src(%dma_wait3A_115 : memref<640xf32, #tpu.memory_space<vmem>>) dst(%dma_wait3A_112 : memref<640xf32, #tpu.memory_space<hbm>>)
      tpu.yield
    }) : () -> ()
    return
  }
}

module attributes {stable_mosaic.version = 14 : i64} {
  func.func @_project_body(%arg0: memref<10000x128xf32, #tpu.memory_space<vmem>>, %arg1: memref<2x128xf32, #tpu.memory_space<vmem>>, %arg2: memref<2x10240xf32, #tpu.memory_space<vmem>>) attributes {dimension_semantics = [], scalar_prefetch = 0 : i64, scratch_operands = 0 : i64, tpu.core_type = #tpu.core_type<tc>} {
    %get3A = arith.constant 0 : index
    %get3A_0 = arith.constant 0 : index
    %get3A_1 = vector.load %arg1[%get3A, %get3A_0] : memref<2x128xf32, #tpu.memory_space<vmem>>, vector<2x128xf32>
    %get3A_2 = arith.constant 0 : index
    %get3A_3 = arith.constant 0 : index
    %get3A_4 = vector.load %arg0[%get3A_2, %get3A_3] : memref<10000x128xf32, #tpu.memory_space<vmem>>, vector<10000x128xf32>
    %dot_general3A = arith.constant dense<0.000000e+00> : vector<2x10000xf32>
    %dot_general3A_5 = tpu.matmul %get3A_1, %get3A_4, %dot_general3A {dimension_numbers = #tpu.dot_dimension_numbers<[1], [1], [0], [0], [0, 0, 1, 0], [], []>, transpose_lhs_hint = false} : vector<2x128xf32>, vector<10000x128xf32>, vector<2x10000xf32> -> vector<2x10000xf32>
    %swap3A = arith.constant 0 : index
    %swap3A_6 = arith.constant 0 : index
    %swap3A_7 = vector.load %arg2[%swap3A, %swap3A_6] : memref<2x10240xf32, #tpu.memory_space<vmem>>, vector<2x10000xf32>
    tpu.vector_store %arg2[%swap3A, %swap3A_6], %dot_general3A_5 {strides = array<i32>} : memref<2x10240xf32, #tpu.memory_space<vmem>>, vector<2x10000xf32>,
    %broadcast_in_dim3A = arith.constant 0.000000e+00 : f32
    %broadcast_in_dim3A_8 = vector.broadcast %broadcast_in_dim3A : f32 to vector<2x240xf32>
    %swap3A_9 = arith.constant 0 : index
    %swap3A_10 = arith.constant 10000 : index
    %swap3A_11 = vector.load %arg2[%swap3A_9, %swap3A_10] : memref<2x10240xf32, #tpu.memory_space<vmem>>, vector<2x240xf32>
    tpu.vector_store %arg2[%swap3A_9, %swap3A_10], %broadcast_in_dim3A_8 {strides = array<i32>} : memref<2x10240xf32, #tpu.memory_space<vmem>>, vector<2x240xf32>,
    return
  }
}

module attributes {stable_mosaic.version = 14 : i64} {
  func.func @_lsm_body(%arg0: memref<2x10240xf32, #tpu.memory_space<vmem>>, %arg1: memref<2xf32, #tpu.memory_space<smem>>, %arg2: memref<2x10000xf32, #tpu.memory_space<vmem>>) attributes {dimension_semantics = [], scalar_prefetch = 0 : i64, scratch_operands = 0 : i64, tpu.core_type = #tpu.core_type<tc>} {
    %get3A = arith.constant 0 : index
    %get3A_0 = arith.constant 0 : index
    %get3A_1 = vector.load %arg0[%get3A, %get3A_0] : memref<2x10240xf32, #tpu.memory_space<vmem>>, vector<1x10000xf32>
    %get3A_2 = arith.constant 0 : index
    %get3A_3 = memref.load %arg1[%get3A_2] : memref<2xf32, #tpu.memory_space<smem>>
    %add3A = vector.broadcast %get3A_3 : f32 to vector<1x10000xf32>
    %add3A_4 = arith.addf %get3A_1, %add3A : vector<1x10000xf32>
    %get3A_5 = arith.constant 1 : index
    %get3A_6 = arith.constant 0 : index
    %get3A_7 = vector.load %arg0[%get3A_5, %get3A_6] : memref<2x10240xf32, #tpu.memory_space<vmem>>, vector<1x10000xf32>
    %get3A_8 = arith.constant 1 : index
    %get3A_9 = memref.load %arg1[%get3A_8] : memref<2xf32, #tpu.memory_space<smem>>
    %add3A_10 = vector.broadcast %get3A_9 : f32 to vector<1x10000xf32>
    %add3A_11 = arith.addf %get3A_7, %add3A_10 : vector<1x10000xf32>
    %max3A = arith.maximumf %add3A_4, %add3A_11 : vector<1x10000xf32>
    %sub3A = arith.subf %add3A_4, %max3A : vector<1x10000xf32>
    %exp3A = math.exp %sub3A : vector<1x10000xf32>
    %sub3A_12 = arith.subf %add3A_11, %max3A : vector<1x10000xf32>
    %exp3A_13 = math.exp %sub3A_12 : vector<1x10000xf32>
    %add3A_14 = arith.addf %exp3A, %exp3A_13 : vector<1x10000xf32>
    %log3A = math.log %add3A_14 : vector<1x10000xf32>
    %add3A_15 = arith.addf %max3A, %log3A : vector<1x10000xf32>
    %sub3A_16 = arith.subf %add3A_4, %add3A_15 : vector<1x10000xf32>
    %swap3A = arith.constant 0 : index
    %swap3A_17 = arith.constant 0 : index
    %swap3A_18 = vector.load %arg2[%swap3A, %swap3A_17] : memref<2x10000xf32, #tpu.memory_space<vmem>>, vector<1x10000xf32>
    tpu.vector_store %arg2[%swap3A, %swap3A_17], %sub3A_16 {strides = array<i32>} : memref<2x10000xf32, #tpu.memory_space<vmem>>, vector<1x10000xf32>,
    %sub3A_19 = arith.subf %add3A_11, %add3A_15 : vector<1x10000xf32>
    %swap3A_20 = arith.constant 1 : index
    %swap3A_21 = arith.constant 0 : index
    %swap3A_22 = vector.load %arg2[%swap3A_20, %swap3A_21] : memref<2x10000xf32, #tpu.memory_space<vmem>>, vector<1x10000xf32>
    tpu.vector_store %arg2[%swap3A_20, %swap3A_21], %sub3A_19 {strides = array<i32>} : memref<2x10000xf32, #tpu.memory_space<vmem>>, vector<1x10000xf32>,
    return
  }
}

</mosaic_0001>

<sc_bundles>
// kernel: kernel.5.cloned.1.call-start
scs
__scs_entry_jumppad:
0x0: {  	(pc) =	sbr.rel $0x88, $3  }
0x1: {  	(tag) =	ssettag $0x0;
	lr =	simm.s32 $0x1  }
0x2: {  	[smem:$0x3F9D] =	sst lr;
	_ =	strace $0xD0000000  }
0x3: {  	_ = 	snop  }
0x4: {  	_ = 	snop  }
0x5: {  	_ = 	snop  }
0x6: {  	_ = 	snop  }
0x7: {  	_ = 	snop  }
__scs_overlays_trampoline_lowered:
0x8: {  	[smem:$0x3FAC] =	sst s0  }
0x9: {  	[smem:$0x3FAD] =	sst s1  }
0xa: {  	[smem:$0x3FAE] =	sst s2  }
0xb: {  	[smem:$0x3FAF] =	sst s3  }
0xc: {  	[smem:$0x3FB0] =	sst s4  }
0xd: {  	[smem:$0x3FB1] =	sst s5  }
0xe: {  	[smem:$0x3FB2] =	sst s6  }
0xf: {  	[smem:$0x3FB3] =	sst s7  }
0x10: {  	[smem:$0x3FB4] =	sst s8  }
0x11: {  	[smem:$0x3FB5] =	sst s9;
	s0 =	simm.s32 @!p0 $0x0  }
0x12: {  	s1 =	sld [smem:$0x3F9B];
	s0 =	simm.s32 @p0 $0x1  }
0x13: {  	[smem:$0x3FB6] =	sst s0;
	s0 =	simm.s32 @!p1 $0x0  }
0x14: {  	s2 =	sld [smem:$0x3F9A];
	s0 =	simm.s32 @p1 $0x1  }
0x15: {  	[smem:$0x3FB7] =	sst s0;
	s0 =	simm.s32 @!p2 $0x0  }
0x16: {  	s3 =	sld [smem:$0x3FDB];
	s0 =	simm.s32 @p2 $0x1  }
0x17: {  	s4 =	simm.s32 $0x1BF5;
	[smem:$0x3FB9] =	sst s0  }
0x18: {  	s0 =	sld [smem:$0x3F9C];
	_ =	swait.ge [sflag:s4], $0x0  }
0x19: {  	s7 =	sld [smem:$0x3F9D]  }
0x1a: {  	s8 =	sadd.s32 $0xFFFFE003, lr  }
0x1b: {  	s9 =	sadd.s32 $0xFFFFFEF7, lr;
	s5 =	simm.s32 $0xFFFFFFFF;
	p2 =	slt.u32 s8, $0xFFFFF086  }
0x1c: {  	p1 =	slt.u32 s9, $0xF7A;
	s5 =	simm.s32 @!p2 $0x0  }
0x1d: {  	s5 =	simm.s32 @p1 $0x1;
	p0 =	seq.s32 s7, s2  }
0x1e: {  	s7 =	smul.u32 @!p0 $0xF7A, s2;
	p2 =	seq.s32 @!p0 s5, $0x0  }
0x1f: {  	s9 =	smul.u32 $0xF7A, s1;
	s8 =	simm.s32 @!p0 $0x1BF5;
	p2 =	por !p2, p0  }
0x20: {  	[sflag:s8] =	ssyncset.s32 @!p0 $0xFFFFF086;
	s6 =	sadd.s32 @!p0 s3, s7;
	s7 =	simm.s32 @!p0 $0x108  }
0x21: {  	s3 =	sadd.s32 s3, s9;
	s6 =	sadd.s32 @!p0 $0x88, s6;
	s7 =	simm.s32 @p2 $0x1082  }
0x22: {  	[simem:s7], [sflag:s8] =	dma.local @!p0 [hbm:s6], $0xF7A  }
0x23: {  	s9 =	sor.u32 $0xD0000000, s2;
	s6 =	simm.s32 $0x108;
	_ =	swait.ge @!p0 [sflag:s8], $0x0  }
0x24: {  	s3 =	sadd.s32 $0x88, s3;
	s6 =	simm.s32 @!p1 $0x1082;
	[sflag:s4] =	ssyncset.s32 $0xFFFFF086  }
0x25: {  	[simem:s6], [sflag:s4] =	dma.local [hbm:s3], $0xF7A  }
0x26: {  	[smem:$0x3F9D] =	sst s1;
	(tag) =	ssettag s2;
	_ =	strace s9  }
0x27: {  	s1 =	sld [smem:$0x3FAD]  }
0x28: {  	s2 =	sld [smem:$0x3FAE]  }
0x29: {  	s4 =	sld [smem:$0x3FB0]  }
0x2a: {  	p0 =	seq.s32 s5, $0x0;
	s5 =	sld [smem:$0x3FB1]  }
0x2b: {  	s6 =	sld [smem:$0x3FB2]  }
0x2c: {  	s7 =	sld [smem:$0x3FB3]  }
0x2d: {  	s3 =	simm.s32 $0x108;
	s8 =	sld [smem:$0x3FB4]  }
0x2e: {  	s3 =	simm.s32 @!p0 $0x1082;
	s9 =	sld [smem:$0x3FB5]  }
0x2f: {  	lr =	sadd.s32 s0, s3;
	s0 =	sld [smem:$0x3FAC]  }
0x30: {  	s3 =	sld [smem:$0x3FAF]  }
0x31: {  	[smem:$0x3FB8] =	sst s10  }
0x32: {  	s10 =	sld [smem:$0x3FB6];
	_ =	sdelay $0x3  }
0x33: {  	p0 =	seq.s32 s10, $0x1;
	s10 =	sld [smem:$0x3FB8];
	_ =	sdelay $0x3  }
0x34: {  	[smem:$0x3FB8] =	sst s10  }
0x35: {  	s10 =	sld [smem:$0x3FB7];
	_ =	sdelay $0x3  }
0x36: {  	p1 =	seq.s32 s10, $0x1;
	s10 =	sld [smem:$0x3FB8];
	_ =	sdelay $0x3  }
0x37: {  	[smem:$0x3FB8] =	sst s10  }
0x38: {  	s10 =	sld [smem:$0x3FB9]  }
0x39: {  	_ = 	snop;
	(pc) =	sbr.ind lr, $3  }
0x3a: {  	_ = 	snop  }
0x3b: {  	_ = 	snop  }
0x3c: {  	p2 =	seq.s32 s10, $0x1;
	s10 =	sld [smem:$0x3FB8]  }
0x3d: {  	_ =	shalt  }
0x3e: {  	_ =	shalt  }
0x3f: {  	_ =	shalt  }
0x40: {  	_ =	shalt  }
0x41: {  	_ =	shalt  }
0x42: {  	_ =	shalt  }
0x43: {  	_ =	shalt  }
0x44: {  	_ =	shalt  }
0x45: {  	_ =	shalt  }
0x46: {  	_ =	shalt  }
0x47: {  	_ =	shalt  }
0x48: {  	_ =	shalt  }
0x49: {  	_ =	shalt  }
0x4a: {  	_ =	shalt  }
0x4b: {  	_ =	shalt  }
0x4c: {  	_ =	shalt  }
0x4d: {  	_ =	shalt  }
0x4e: {  	_ =	shalt  }
0x4f: {  	_ =	shalt  }
0x50: {  	_ =	shalt  }
0x51: {  	_ =	shalt  }
0x52: {  	_ =	shalt  }
0x53: {  	_ =	shalt  }
0x54: {  	_ =	shalt  }
0x55: {  	_ =	shalt  }
0x56: {  	_ =	shalt  }
0x57: {  	_ =	shalt  }
0x58: {  	_ =	shalt  }
0x59: {  	_ =	shalt  }
0x5a: {  	_ =	shalt  }
0x5b: {  	_ =	shalt  }
0x5c: {  	_ =	shalt  }
0x5d: {  	_ =	shalt  }
0x5e: {  	_ =	shalt  }
0x5f: {  	_ =	shalt  }
0x60: {  	_ =	shalt  }
0x61: {  	_ =	shalt  }
0x62: {  	_ =	shalt  }
0x63: {  	_ =	shalt  }
0x64: {  	_ =	shalt  }
0x65: {  	_ =	shalt  }
0x66: {  	_ =	shalt  }
0x67: {  	_ =	shalt  }
0x68: {  	_ =	shalt  }
0x69: {  	_ =	shalt  }
0x6a: {  	_ =	shalt  }
0x6b: {  	_ =	shalt  }
0x6c: {  	_ =	shalt  }
0x6d: {  	_ =	shalt  }
0x6e: {  	_ =	shalt  }
0x6f: {  	_ =	shalt  }
0x70: {  	_ =	shalt  }
0x71: {  	_ =	shalt  }
0x72: {  	_ =	shalt  }
0x73: {  	_ =	shalt  }
0x74: {  	_ =	shalt  }
0x75: {  	_ =	shalt  }
0x76: {  	_ =	shalt  }
0x77: {  	_ =	shalt  }
0x78: {  	_ =	shalt  }
0x79: {  	_ =	shalt  }
0x7a: {  	_ =	shalt  }
0x7b: {  	_ =	shalt  }
0x7c: {  	_ =	shalt  }
0x7d: {  	_ =	shalt  }
0x7e: {  	_ =	shalt  }
0x7f: {  	_ =	shalt  }
0x80: {  	_ =	shalt  }
0x81: {  	_ =	shalt  }
0x82: {  	_ =	shalt  }
0x83: {  	_ =	shalt  }
0x84: {  	_ =	shalt  }
0x85: {  	_ =	shalt  }
0x86: {  	_ =	shalt  }
0x87: {  	_ =	shalt  }
.Lfunc_end0:
.L_simem_size_0:
called_computation_lowered:
.L_overlay_start_0:
0x88: {  	s2 =	sld [smem:$0x3FD9]  }
0x89: {  	s3 =	sld [smem:$0x3FFE];
	_ =	sdelay $0x1  }
0x8a: {  	s1 =	srdreg.scid  }
0x8b: {  	s0 =	sand.u32 $0x1, s1  }
0x8c: {  	s17 =	sshll.u32 s0, $0xA;
	s2 =	sadd.s32 s3, s2  }
0x8d: {  	s2 =	sadd.s32 s2, s17  }
0x8e: {  	[smem:$0x3FC4] =	sst s2  }
0x8f: {  	_ = 	snop  }
0x90: {  	s2 =	sld [smem:$0x3FC8];
	(tm) =	ssettm $0x1  }
0x91: {  	s18 =	sld [smem:$0x3FFB];
	_ =	sdelay $0x3  }
0x92: {  	_ =	strace s18  }
0x93: {  	s3 =	sld [smem:$0x3FFC];
	_ =	sdelay $0x3  }
0x94: {  	_ =	strace s3  }
0x95: {  	s3 =	sld [smem:$0x3FFD];
	_ =	sdelay $0x3  }
0x96: {  	_ =	strace s3  }
0x97: {  	_ =	strace $0x8FFFFFFF  }
0x98: {  	s19 =	sld [smem:$0x3FDB];
	_ =	sdelay $0x1  }
0x99: {  	s4 =	simm.s32 $_scs_section_size  }
0x9a: {  	s5 =	simm.s32 $_size__tile_overlayer_lowered;
	s6 =	simm.s32 $_tile_overlayer_lowered  }
0x9b: {  	s22 =	simm.s32 $0x1BFF;
	s21 =	sshll.u32 s6, $0x1;
	s3 =	sadd.s32 s4, s19  }
0x9c: {  	s7 =	simm.s32 $0x0;
	s20 =	sshll.u32 s5, $0x1;
	s5 =	sadd.s32 s21, s3  }
0x9d: {  	[timem:s7], [sflag:s22] =	dma.local [hbm:s5], s20  }
0x9e: {  	_ =	swait.ge [sflag:s22], s20  }
0x9f: {  	s4 =	ssub.s32 $0x0, s20;
	[sflag:s22] =	ssyncset.done $0x0  }
0xa0: {  	[sflag:s22] =	ssyncadd.s32 s4;
	_ =	sdelay $0x1  }
0xa1: {  	s23 =	simm.s32 $0x1B8B  }
0xa2: {  	_ =	swait.ge [sflag:s23], $0x1  }
0xa3: {  	[sflag:s23] =	ssyncset.done $0x0  }
0xa4: {  	s25 =	simm.s32 $0x1B8E;
	s24 =	sld [smem:$0x3FFE];
	[sflag:s23] =	ssyncadd.s32 $0xFFFFFFFF  }
0xa5: {  	s26 =	simm.s32 $execute0_lowered;
	[smem:$0x3FD2] =	sst s25  }
0xa6: {  	s5 =	sshll.u32 s26, $0x1;
	_ =	strace $0x80000046;
	[dreg:$0x1] =	wrdreg $0xFFFFFFFF  }
0xa7: {  	s28 =	simm.s32 $_size_execute0_lowered;
	s3 =	sadd.s32 s3, s5;
	[dreg:$0x0] =	wrdreg $0x0  }
0xa8: {  	s5 =	sshll.u32 s28, $0x1;
	[dreg:$0x2] =	wrdreg s3  }
0xa9: {  	[dreg:$0x3] =	wrdreg s5  }
0xaa: {  	[dreg:$0x4] =	wrdreg $0xC0  }
0xab: {  	_ =	task [dreg:s7], $0x5FFFF  }
0xac: {  	[dreg:$0x1] =	wrdreg $0xFFFFFFFF  }
0xad: {  	[dreg:$0x0] =	wrdreg $0x60  }
0xae: {  	[dreg:$0x2] =	wrdreg s2  }
0xaf: {  	[dreg:$0x3] =	wrdreg s24  }
0xb0: {  	[dreg:$0x4] =	wrdreg $0x13D000  }
0xb1: {  	[dreg:$0x5] =	wrdreg $0x165000  }
0xb2: {  	[dreg:$0x6] =	wrdreg $0x9  }
0xb3: {  	_ =	task.clear_ibuf [dreg:s7], $0x7FFFF;
	_ =	strace $0x90000046  }
0xb4: {  	s29 =	simm.s32 $0x9;
	_ =	strace $0x80000048  }
0xb5: {  	_ =	swait.ge [sflag:s29], $0x1  }
0xb6: {  	[sflag:s29] =	ssyncadd.s32 $0xFFFFFFFF  }
0xb7: {  	_ =	strace $0x90000048  }
0xb8: {  	_ =	sfence  }
0xb9: {  	s30 =	sld [smem:$0x0];
	_ =	sdelay $0x2  }
0xba: {  	s31 =	sshll.u32 s1, $0xD;
	s1 =	sshrl.u32 s1, $0x2  }
0xbb: {  	s3 =	sand.u32 $0x4000, s31;
	s1 =	sadd.s32 s1, s30  }
0xbc: {  	s0 =	sor.u32 s3, s0;
	s1 =	sshll.u32 s1, $0x11  }
0xbd: {  	s0 =	sor.u32 s1, s0  }
0xbe: {  	s0 =	sadd.s32 $0x8F2B, s0  }
0xbf: {  	[sflag:s0] =	ssyncadd.remote.s32 $0x1  }
0xc0: {  	_ =	sfence.sel $0xFFFF  }
0xc1: {  	[dreg:$0x0] =	wrdreg $0xFFFFFFFF;
	(pc) =	sbr.abs _section_cstart, $3  }
0xc2: {  	[dreg:$0x1] =	wrdreg $0xFFFFFFFF  }
0xc3: {  	_ =	task.clear_ibuf [dreg:s7], $0x2FFFF;
	_ =	strace $0x9FFFFFFF  }
0xc4: {  	(tm) =	ssettm $0x7FFFFFFF  }
0xc5: {  	_ =	shalt  }
tec
execute0_lowered:
.L_overlay_start_1:
0x0: {  	(tag) =	ssettag $0x1  }
0x1: {  	s1 =	rddreg [dreg:$0x0]  }
0x2: {  	s0 =	rddreg [dreg:$0x1]  }
0x3: {  	s2 =	rddreg [dreg:$0x2]  }
0x4: {  	s30 =	rddreg [dreg:$0x3];
	s17 =	simm.s32 $0x0;
	s3 =	srdreg.scid  }
0x5: {  	s14 =	stileid.u32;
	s29 =	simm.s32 $0x9D00;
	s31 =	simm.s32 $0xC500  }
0x6: {  	[smem:$0x7FF] =	sst s17;
	s3 =	sand.u32 $0x1, s3;
	s4 =	smul.u32 $0x500, s14  }
0x7: {  	s7 =	smul.u32 $0x1388, s14;
	s19 =	sshrl.u32 s14, $0x3;
	s20 =	sshll.u32 s14, $0x5  }
0x8: {  	s21 =	sshll.u32 s14, $0x7;
	s22 =	smul.u32 $0x5000, s14;
	s24 =	sshll.u32 s14, $0x1  }
0x9: {  	s10 =	sadd.s32 $0xFFFFFFFF, s14;
	_ =	strace $0x80000047;
	s5 =	sshll.u32 s3, $0x4  }
0xa: {  	s6 =	sshll.u32 s3, $0x7;
	s3 =	ssub.s32 $0x2, s3;
	s26 =	sadd.s32 $0x2, s24  }
0xb: {  	s15 =	sxor.u32 $0x4, s24;
	s16 =	sadd.s32 $0x6, s24;
	s10 =	sand.u32 $0x3, s10  }
0xc: {  	s5 =	sadd.s32 s5, s0;
	s4 =	sor.u32 s6, s4;
	s18 =	sshrl.u32 s3, $0x1  }
0xd: {  	s7 =	sand.u32 $0x1FFE0, s7;
	s6 =	sand.u32 $0x60, s20;
	s23 =	sshrl.u32 s22, $0x2  }
0xe: {  	s10 =	sshll.u32 s10, $0x7;
	s4 =	sshrl.u32 s4, $0x3;
	s1 =	sadd.s32 s1, s7  }
0xf: {  	s5 =	sadd.s32 $0xE00, s5;
	s28 =	sxor.u32 $0x40, s6;
	s7 =	sand.u32 $0x3, s14  }
0x10: {  	s8 =	sadd.s32 s4, s0;
	s0 =	ssub.s32 s3, s18;
	s3 =	smul.u32 $0x50000, s19  }
0x11: {  	s6 =	sand.u32 $0x6, s16;
	s4 =	smul.u32 $0x280, s14;
	[dreg:$0x7] =	wrdreg s1  }
0x12: {  	[dreg:$0x8] =	wrdreg s5;
	s1 =	sand.u32 $0x380, s21;
	s5 =	sand.u32 $0x6, s15  }
0x13: {  	s6 =	sshll.u32 s6, $0x6;
	s14 =	sadd.s32 $0x1, s14;
	s25 =	sadd.s32 $0x1800, s8  }
0x14: {  	s8 =	sshll.u32 s7, $0x8;
	s5 =	sshll.u32 s5, $0x6;
	s14 =	sand.u32 $0x3, s14  }
0x15: {  	s0 =	smax.u32 s0, $0x1;
	s3 =	sshrl.u32 s3, $0x2;
	[dreg:$0xb] =	wrdreg s25  }
0x16: {  	s9 =	sadd.s32 $0x700, s8;
	s11 =	sadd.s32 $0x500, s8;
	s12 =	sadd.s32 $0x600, s8  }
0x17: {  	s15 =	sadd.s32 $0x280, s8;
	s18 =	sadd.s32 $0x180, s8;
	s16 =	sadd.s32 $0x100, s8  }
0x18: {  	s14 =	sshll.u32 s14, $0x7;
	s19 =	sadd.s32 $0x200, s8;
	[dreg:$0xe] =	wrdreg s0  }
0x19: {  	s3 =	sadd.s32 s3, s2;
	s9 =	sand.u32 $0xC00, s9;
	s11 =	sand.u32 $0xC00, s11  }
0x1a: {  	s12 =	sand.u32 $0xC00, s12;
	s15 =	sand.u32 $0x400, s15;
	s16 =	sand.u32 $0x400, s16  }
0x1b: {  	s1 =	sadd.s32 s1, s3;
	s3 =	sadd.s32 $0x4, s24;
	s20 =	sor.u32 s5, s12  }
0x1c: {  	s22 =	sor.u32 s6, s9;
	s24 =	sor.u32 s10, s9;
	s9 =	sadd.s32 $0x3FC, s8  }
0x1d: {  	[dreg:$0x9] =	wrdreg s1;
	s1 =	sadd.s32 s23, s2;
	s3 =	sand.u32 $0x6, s3  }
0x1e: {  	s2 =	sshll.u32 s28, $0x2;
	s23 =	sor.u32 $0x240, s22;
	[dreg:$0xa] =	wrdreg s1  }
0x1f: {  	s0 =	sor.u32 $0x200, s24;
	s25 =	sor.u32 $0x240, s20;
	[dreg:$0xf] =	wrdreg s23  }
0x20: {  	s1 =	sand.u32 $0x6, s26;
	s3 =	sshll.u32 s3, $0x6;
	[dreg:$0x10] =	wrdreg s0  }
0x21: {  	s12 =	sor.u32 s2, s12;
	[dreg:$0x11] =	wrdreg s25;
	s23 =	sadd.s32 s4, s30  }
0x22: {  	s1 =	sshll.u32 s1, $0x6;
	s3 =	sor.u32 s3, s15;
	s15 =	sand.u32 $0x400, s18  }
0x23: {  	s28 =	sor.u32 $0x200, s12;
	s24 =	sadd.s32 $0x80, s23;
	s25 =	sadd.s32 $0x100, s23  }
0x24: {  	[dreg:$0x17] =	wrdreg s23;
	s13 =	sor.u32 s1, s11;
	s11 =	sor.u32 s14, s11  }
0x25: {  	s15 =	sor.u32 s1, s15;
	s1 =	sor.u32 s1, s16;
	[dreg:$0x12] =	wrdreg s28  }
0x26: {  	s16 =	sor.u32 s14, s16;
	s14 =	sand.u32 $0x400, s19;
	[dreg:$0x18] =	wrdreg s24  }
0x27: {  	[dreg:$0x19] =	wrdreg s25;
	s1 =	sor.u32 $0x240, s1;
	s18 =	sor.u32 s2, s14  }
0x28: {  	s21 =	sor.u32 s5, s14;
	s2 =	sadd.s32 $0x380, s8;
	s5 =	sor.u32 $0x240, s13  }
0x29: {  	s11 =	sor.u32 $0x200, s11;
	s13 =	sor.u32 $0x240, s3;
	[dreg:$0xc] =	wrdreg s16  }
0x2a: {  	s14 =	sor.u32 $0x240, s15;
	s15 =	sshll.u32 s7, $0x7;
	[dreg:$0x5] =	wrdreg s1  }
0x2b: {  	s22 =	sor.u32 $0x200, s16;
	s16 =	simm.s32 $0x11500;
	[dreg:$0x13] =	wrdreg s5  }
0x2c: {  	s26 =	sor.u32 $0x240, s21;
	s0 =	sand.u32 $0x400, s2;
	[dreg:$0x14] =	wrdreg s11  }
0x2d: {  	s1 =	sand.u32 $0x400, s9;
	s19 =	sor.u32 $0x600, s15;
	s5 =	sshrl.u32 s15, $0x2  }
0x2e: {  	[dreg:$0xd] =	wrdreg s18;
	s21 =	sor.u32 $0x200, s18;
	s7 =	sshrl.u32 s22, $0x2  }
0x2f: {  	s3 =	sshrl.u32 s14, $0x2;
	s2 =	sshrl.u32 s13, $0x2;
	s9 =	sadd.s32 $0x200, s23  }
0x30: {  	s22 =	simm.s32 $0x1;
	[dreg:$0x6] =	wrdreg s26;
	s0 =	sor.u32 s6, s0  }
0x31: {  	s12 =	sor.u32 s10, s1;
	s1 =	sor.u32 s6, s1;
	s20 =	sshrl.u32 s19, $0x2  }
0x32: {  	s6 =	sshrl.u32 s21, $0x2;
	s26 =	sadd.s32 $0x180, s23;
	s28 =	sor.u32 $0x9C80, s5  }
0x33: {  	[dreg:$0x1b] =	wrdreg s9;
	s21 =	simm.s32 $0x80;
	v8 =	vmov s5;
	s0 =	sor.u32 $0x240, s0;
	v7 =	vmov s28  }
0x34: {  	v9 =	vimm.f32 $0.0e+00;
	v10 =	vimm.f32 $1.000000000e+00;
	v1 =	vmov s7;
	s1 =	sor.u32 $0x240, s1;
	[dreg:$0x15] =	wrdreg s12;
	s8 =	sor.u32 $0x200, s12  }
0x35: {  	v2 =	vmov s3;
	v4 =	vmov s2;
	[dreg:$0x1a] =	wrdreg s26;
	v0 =	vmov s20;
	s8 =	sshrl.u32 s8, $0x2;
	s0 =	sshrl.u32 s0, $0x2  }
0x36: {  	s2 =	simm.s32 $0x0;
	v3 =	vmov s6;
	[dreg:$0x16] =	wrdreg s1;
	s1 =	simm.s32 $0x3;
	v5 =	vmov s8;
	v6 =	vmov s0  }
.LBB2_1:
0x37: {  	[dreg:$0x1c] =	wrdreg s2  }
0x38: {  	s0 =	rddreg [dreg:$0x7]  }
0x39: {  	[tilespmem:s17], [sflag:$0x1] =	stream.linear.gather [hbm4b:s0+s17], $0x9D00, $0x38;
	[tilespmem:$0x16780] =	vst v63  }
0x3a: {  	s26 =	rddreg [dreg:$0x8];
	s28 =	simm.s32 $0x100;
	s0 =	simm.s32 $0xC540  }
0x3b: {  	[tilespmem:s29], [sflag:$0x2] =	stream.strided.gather [hbm4b:s26+s21], $0x2800, s28, s21, $0x38;
	[tilespmem:$0x16780] =	vst v63  }
0x3c: {  	[tilespmem:s0+$0xFFFFFFC0] =	vst v9  }
0x3d: {  	[tilespmem:s0+$0x30] =	vst v9  }
0x3e: {  	[tilespmem:s0+$0x20] =	vst v9  }
0x3f: {  	[tilespmem:s0+$0x10] =	vst v9  }
0x40: {  	[tilespmem:s0+$0x0] =	vst v9  }
0x41: {  	[tilespmem:s0+$0xFFFFFFF0] =	vst v9  }
0x42: {  	s2 =	simm.s32 $0x0;
	[tilespmem:s0+$0xFFFFFFE0] =	vst v9  }
.LBB2_2:
0x43: {  	s2 =	sadd.s32 $0x8, s2;
	[tilespmem:s0+$0xFFFFFFD0] =	vst v9;
	s0 =	sadd.s32 $0x80, s0  }
0x44: {  	[tilespmem:s0+$0xFFFFFFC0] =	vst v9;
	p0 =	slt.u32 s2, $0x278  }
0x45: {  	[tilespmem:s0+$0x30] =	vst v9  }
.Ltmp0:
0x46: {  	[tilespmem:s0+$0x20] =	vst v9;
	(pc) =	sbr.rel @p0 .LBB2_2-.Ltmp0, $4  }
0x47: {  	[tilespmem:s0+$0x10] =	vst v9  }
0x48: {  	[tilespmem:s0+$0x0] =	vst v9  }
0x49: {  	[tilespmem:s0+$0xFFFFFFF0] =	vst v9  }
0x4a: {  	[tilespmem:s0+$0xFFFFFFE0] =	vst v9  }
0x4b: {  	[tilespmem:s0+$0xFFFFFFD0] =	vst v9  }
0x4c: {  	_ =	swait.ge [sflag:s22], $0x9D00  }
0x4d: {  	[sflag:s22] =	ssyncset.done $0x0  }
0x4e: {  	s0 =	simm.s32 $0x0;
	[sflag:s22] =	ssyncadd.s32 $0xFFFF6300  }
0x4f: {  	v14 =	vld.idx.msk [tilespmem:v0+s0+$0xFFFFFF10 ss:$0x1], $0xffff  }
0x50: {  	v20 =	vld.idx.msk [tilespmem:v1+s0+$0x0 ss:$0x1], $0xffff  }
0x51: {  	v21 =	vld.idx.msk [tilespmem:v2+s0+$0x0 ss:$0x1], $0xffff  }
0x52: {  	v22 =	vld.idx.msk [tilespmem:v3+s0+$0x0 ss:$0x1], $0xffff  }
0x53: {  	v23 =	vld.idx.msk [tilespmem:v4+s0+$0x0 ss:$0x1], $0xffff  }
0x54: {  	v24 =	vld.idx.msk [tilespmem:v5+s0+$0x0 ss:$0x1], $0xffff  }
0x55: {  	s2 =	rddreg [dreg:$0xf];
	v12 =	vld.idx.msk [tilespmem:v6+s0+$0x0 ss:$0x1], $0xffff  }
0x56: {  	s13 =	rddreg [dreg:$0x14];
	s18 =	sshrl.u32 s2, $0x2;
	v13 =	vld.idx.msk [tilespmem:v0+s0+$0x0 ss:$0x1], $0xffff  }
0x57: {  	s3 =	rddreg [dreg:$0x13];
	s17 =	sshrl.u32 s13, $0x2;
	s14 =	sadd.s32 $0x0, s18;
	v25 =	vld.idx.msk [tilespmem:v0+s0+$0xFFFFFF00 ss:$0x1], $0xffff  }
0x58: {  	s19 =	rddreg [dreg:$0x12];
	s10 =	sshrl.u32 s3, $0x2;
	s15 =	sadd.s32 $0x0, s17;
	v11 =	vld [tilespmem:s14+$0x0]  }
0x59: {  	s23 =	rddreg [dreg:$0x11];
	s19 =	sshrl.u32 s19, $0x2;
	s20 =	sadd.s32 $0x0, s10;
	v15 =	vld [tilespmem:s15+$0x0]  }
0x5a: {  	s25 =	rddreg [dreg:$0x10];
	s11 =	sshrl.u32 s23, $0x2;
	s24 =	sadd.s32 $0x0, s19;
	v16 =	vld [tilespmem:s20+$0x0]  }
0x5b: {  	s26 =	sadd.s32 $0x0, s11;
	s20 =	sshrl.u32 s25, $0x2;
	v17 =	vld [tilespmem:s24+$0x0]  }
0x5c: {  	v18 =	vld [tilespmem:s26+$0x0];
	s28 =	sadd.s32 $0x0, s20  }
0x5d: {  	v19 =	vld [tilespmem:s28+$0x0]  }
0x5e: {  	[tilespmem:v14+s31+$0x0] =	vst.idx.add.f32.msk $0xffff, v10  }
0x5f: {  	[tilespmem:v20+s31+$0x0] =	vst.idx.add.f32.msk $0xffff, v10  }
0x60: {  	[tilespmem:v25+s31+$0x0] =	vst.idx.add.f32.msk $0xffff, v10  }
0x61: {  	[tilespmem:v21+s31+$0x0] =	vst.idx.add.f32.msk $0xffff, v10  }
0x62: {  	[tilespmem:v22+s31+$0x0] =	vst.idx.add.f32.msk $0xffff, v10  }
0x63: {  	[tilespmem:v23+s31+$0x0] =	vst.idx.add.f32.msk $0xffff, v10  }
0x64: {  	[tilespmem:v24+s31+$0x0] =	vst.idx.add.f32.msk $0xffff, v10  }
0x65: {  	[tilespmem:v11+s31+$0x0] =	vst.idx.add.f32.msk $0xffff, v10  }
0x66: {  	v11 =	vld.idx.msk [tilespmem:v0+s0+$0x10 ss:$0x1], $0xffff  }
0x67: {  	[tilespmem:v15+s31+$0x0] =	vst.idx.add.f32.msk $0xffff, v10  }
0x68: {  	[tilespmem:v16+s31+$0x0] =	vst.idx.add.f32.msk $0xffff, v10  }
0x69: {  	[tilespmem:v17+s31+$0x0] =	vst.idx.add.f32.msk $0xffff, v10  }
0x6a: {  	[tilespmem:v18+s31+$0x0] =	vst.idx.add.f32.msk $0xffff, v10  }
0x6b: {  	s2 =	simm.s32 $0x0;
	s3 =	simm.s32 $0x0;
	[tilespmem:v19+s31+$0x0] =	vst.idx.add.f32.msk $0xffff, v10  }
.LBB2_4:
0x6c: {  	[tilespmem:v12+s31+$0x0] =	vst.idx.add.f32.msk $0xffff, v10  }
0x6d: {  	[tilespmem:v13+s31+$0x0] =	vst.idx.add.f32.msk $0xffff, v10  }
0x6e: {  	s2 =	sadd.s32 $0x10, s2;
	s3 =	sadd.s32 $0x200, s3;
	[tilespmem:v11+s31+$0x0] =	vst.idx.add.f32.msk $0xffff, v10  }
0x6f: {  	s5 =	sadd.s32 s17, s3;
	s6 =	sadd.s32 s18, s3;
	p0 =	slt.u32 s2, $0x4D0;
	v14 =	vld.idx.msk [tilespmem:v0+s3+$0xFFFFFF10 ss:$0x1], $0xffff  }
0x70: {  	s7 =	sadd.s32 s10, s3;
	s8 =	sadd.s32 s19, s3;
	s9 =	sadd.s32 s11, s3;
	v11 =	vld [tilespmem:s6+$0x0]  }
0x71: {  	v15 =	vld [tilespmem:s5+$0x0];
	s5 =	sadd.s32 s20, s3  }
0x72: {  	v16 =	vld [tilespmem:s7+$0x0]  }
0x73: {  	v17 =	vld [tilespmem:s8+$0x0]  }
0x74: {  	v18 =	vld [tilespmem:s9+$0x0]  }
0x75: {  	v19 =	vld [tilespmem:s5+$0x0]  }
0x76: {  	v20 =	vld.idx.msk [tilespmem:v1+s3+$0x0 ss:$0x1], $0xffff  }
0x77: {  	v21 =	vld.idx.msk [tilespmem:v2+s3+$0x0 ss:$0x1], $0xffff  }
0x78: {  	[tilespmem:v11+s31+$0x0] =	vst.idx.add.f32.msk $0xffff, v10  }
0x79: {  	v22 =	vld.idx.msk [tilespmem:v3+s3+$0x0 ss:$0x1], $0xffff  }
0x7a: {  	v23 =	vld.idx.msk [tilespmem:v4+s3+$0x0 ss:$0x1], $0xffff  }
0x7b: {  	v24 =	vld.idx.msk [tilespmem:v5+s3+$0x0 ss:$0x1], $0xffff  }
0x7c: {  	v12 =	vld.idx.msk [tilespmem:v6+s3+$0x0 ss:$0x1], $0xffff  }
0x7d: {  	v13 =	vld.idx.msk [tilespmem:v0+s3+$0x0 ss:$0x1], $0xffff  }
0x7e: {  	v11 =	vld.idx.msk [tilespmem:v0+s3+$0x10 ss:$0x1], $0xffff  }
0x7f: {  	v25 =	vld.idx.msk [tilespmem:v0+s3+$0xFFFFFF00 ss:$0x1], $0xffff  }
0x80: {  	[tilespmem:v15+s31+$0x0] =	vst.idx.add.f32.msk $0xffff, v10  }
0x81: {  	[tilespmem:v16+s31+$0x0] =	vst.idx.add.f32.msk $0xffff, v10  }
0x82: {  	[tilespmem:v17+s31+$0x0] =	vst.idx.add.f32.msk $0xffff, v10  }
0x83: {  	[tilespmem:v18+s31+$0x0] =	vst.idx.add.f32.msk $0xffff, v10  }
0x84: {  	[tilespmem:v19+s31+$0x0] =	vst.idx.add.f32.msk $0xffff, v10  }
0x85: {  	[tilespmem:v14+s31+$0x0] =	vst.idx.add.f32.msk $0xffff, v10  }
0x86: {  	[tilespmem:v20+s31+$0x0] =	vst.idx.add.f32.msk $0xffff, v10  }
.Ltmp1:
0x87: {  	[tilespmem:v25+s31+$0x0] =	vst.idx.add.f32.msk $0xffff, v10;
	(pc) =	sbr.rel @p0 .LBB2_4-.Ltmp1, $4  }
0x88: {  	[tilespmem:v21+s31+$0x0] =	vst.idx.add.f32.msk $0xffff, v10  }
0x89: {  	[tilespmem:v22+s31+$0x0] =	vst.idx.add.f32.msk $0xffff, v10  }
0x8a: {  	[tilespmem:v23+s31+$0x0] =	vst.idx.add.f32.msk $0xffff, v10  }
0x8b: {  	[tilespmem:v24+s31+$0x0] =	vst.idx.add.f32.msk $0xffff, v10  }
0x8c: {  	_ =	sdelay $0x3  }
0x8d: {  	[tilespmem:v12+s31+$0x0] =	vst.idx.add.f32.msk $0xffff, v10  }
0x8e: {  	[tilespmem:v13+s31+$0x0] =	vst.idx.add.f32.msk $0xffff, v10  }
0x8f: {  	[tilespmem:v11+s31+$0x0] =	vst.idx.add.f32.msk $0xffff, v10  }
.LBB2_6:
0x90: {  	s2 =	sshra.s32 s0, $0x2  }
0x91: {  	v11 =	vld.idx.msk [tilespmem:v7+s2+$0x0 ss:$0x1], $0xffff;
	_ =	sdelay $0x2  }
0x92: {  	p0 =	sne.s32 s0, $0x40  }
.Ltmp2:
0x93: {  	_ = 	snop;
	(pc) =	sbr.rel @p0 .LBB2_6-.Ltmp2, $2  }
0x94: {  	_ =	sdelay $0x2  }
0x95: {  	s0 =	sadd.s32 $0x40, s0;
	[tilespmem:v11+s31+$0x0] =	vst.idx.add.f32.msk $0xffff, v10  }
0x96: {  	s0 =	rddreg [dreg:$0x9];
	s2 =	simm.s32 $0x400  }
0x97: {  	[spmem:s0] =	stream.strided.scatter [tilespmem:s31], [sflag:$0x3], $0x2800, s2, s21, $0x38;
	[tilespmem:$0x16780] =	vst v63  }
0x98: {  	_ =	swait.ge [sflag:s1], $0x2800  }
0x99: {  	[sflag:s1] =	ssyncset.done $0x0  }
0x9a: {  	[sflag:s1] =	ssyncadd.s32 $0xFFFFD800  }
0x9b: {  	s28 =	simm.s32 $0x1400;
	[bflag:$0x0] =	sbarrier.arrive $0xFFFF  }
0x9c: {  	s3 =	simm.s32 $0x14000;
	s0 =	simm.s32 $0xC540;
	s26 =	rddreg [dreg:$0xa]  }
0x9d: {  	[tilespmem:s16], [sflag:$0x1] =	stream.strided.gather [spmem:s26], $0x2800, s3, s28, $0x38;
	[tilespmem:$0x16780] =	vst v63  }
0x9e: {  	[tilespmem:s0+$0xFFFFFFC0] =	vst v9  }
0x9f: {  	[tilespmem:s0+$0x30] =	vst v9  }
0xa0: {  	[tilespmem:s0+$0x20] =	vst v9  }
0xa1: {  	[tilespmem:s0+$0x10] =	vst v9  }
0xa2: {  	[tilespmem:s0+$0x0] =	vst v9  }
0xa3: {  	[tilespmem:s0+$0xFFFFFFF0] =	vst v9  }
0xa4: {  	s2 =	simm.s32 $0x0;
	[tilespmem:s0+$0xFFFFFFE0] =	vst v9  }
.LBB2_8:
0xa5: {  	s2 =	sadd.s32 $0x8, s2;
	[tilespmem:s0+$0xFFFFFFD0] =	vst v9;
	s0 =	sadd.s32 $0x80, s0  }
0xa6: {  	[tilespmem:s0+$0xFFFFFFC0] =	vst v9;
	p0 =	slt.u32 s2, $0x278  }
0xa7: {  	[tilespmem:s0+$0x30] =	vst v9  }
.Ltmp3:
0xa8: {  	[tilespmem:s0+$0x20] =	vst v9;
	(pc) =	sbr.rel @p0 .LBB2_8-.Ltmp3, $4  }
0xa9: {  	[tilespmem:s0+$0x10] =	vst v9  }
0xaa: {  	[tilespmem:s0+$0x0] =	vst v9  }
0xab: {  	[tilespmem:s0+$0xFFFFFFF0] =	vst v9  }
0xac: {  	[tilespmem:s0+$0xFFFFFFE0] =	vst v9  }
0xad: {  	[tilespmem:s0+$0xFFFFFFD0] =	vst v9;
	s5 =	simm.s32 $0x0  }
0xae: {  	_ =	swait.ge [sflag:s22], $0x2800;
	s12 =	sand.u32 $0x60, s5;
	s3 =	sand.u32 $0x1C00, s5  }
0xaf: {  	[sflag:s22] =	ssyncset.done $0x0;
	s8 =	sadd.s32 $0x11500, s3;
	s2 =	sor.u32 $0x10, s12  }
0xb0: {  	[sflag:s22] =	ssyncadd.s32 $0xFFFFD800;
	s14 =	sor.u32 s2, s8  }
0xb1: {  	v11 =	vld [tilespmem:s14+$0x0]  }
0xb2: {  	s0 =	sor.u32 s12, s8;
	v13 =	vld [tilespmem:s14+$0x80]  }
0xb3: {  	v15 =	vld [tilespmem:s0+$0x0]  }
0xb4: {  	v14 =	vld [tilespmem:s14+$0x100]  }
0xb5: {  	v16 =	vld [tilespmem:s0+$0x80]  }
0xb6: {  	v17 =	vld [tilespmem:s14+$0x180]  }
0xb7: {  	v18 =	vld [tilespmem:s0+$0x100]  }
0xb8: {  	v19 =	vld [tilespmem:s14+$0x200]  }
0xb9: {  	v20 =	vld [tilespmem:s0+$0x180]  }
0xba: {  	v21 =	vld [tilespmem:s14+$0x280]  }
0xbb: {  	s9 =	sadd.s32 $0x12900, s3;
	v22 =	vld [tilespmem:s0+$0x200]  }
0xbc: {  	s6 =	sand.u32 $0x3, s5;
	s5 =	sor.u32 s5, s5;
	s13 =	sor.u32 s2, s9;
	v24 =	vld [tilespmem:s0+$0x280]  }
0xbd: {  	s5 =	sor.u32 $0x380, s5;
	s15 =	sadd.s32 $0x12980, s3;
	v27 =	vld [tilespmem:s13+$0x0]  }
0xbe: {  	s21 =	sor.u32 s2, s15;
	v28 =	vld [tilespmem:s5+$0x11500]  }
0xbf: {  	s23 =	sadd.s32 $0x12A00, s3;
	s22 =	sor.u32 s12, s9;
	v29 =	vld [tilespmem:s21+$0x0]  }
0xc0: {  	s24 =	sor.u32 s2, s23;
	v30 =	vld [tilespmem:s22+$0x0]  }
0xc1: {  	s6 =	sshll.u32 s6, $0x5;
	s25 =	sor.u32 s12, s15;
	v31 =	vld [tilespmem:s24+$0x0]  }
0xc2: {  	s6 =	sadd.s32 $0x0, s6;
	s9 =	sor.u32 s12, s23;
	v32 =	vld [tilespmem:s25+$0x0]  }
0xc3: {  	s26 =	sadd.s32 $0x12A80, s3;
	s7 =	sadd.s32 $0x10, s6;
	s6 =	sor.u32 $0x300, s6;
	v34 =	vld [tilespmem:s9+$0x0]  }
0xc4: {  	s21 =	sor.u32 s12, s26;
	v26 =	vld [tilespmem:s6+$0x11500]  }
0xc5: {  	s8 =	sor.u32 $0x300, s7;
	v36 =	vld [tilespmem:s21+$0x0]  }
0xc6: {  	s7 =	sor.u32 $0x380, s7;
	v23 =	vld [tilespmem:s8+$0x11500]  }
0xc7: {  	s13 =	sadd.s32 $0x12B00, s3;
	s6 =	sor.u32 s2, s26;
	v25 =	vld [tilespmem:s7+$0x11500]  }
0xc8: {  	s22 =	sadd.s32 $0x12B80, s3;
	s15 =	sor.u32 s2, s13;
	v33 =	vld [tilespmem:s6+$0x0]  }
0xc9: {  	s23 =	sor.u32 s2, s22;
	v35 =	vld [tilespmem:s15+$0x0]  }
0xca: {  	s25 =	sadd.s32 $0x12C00, s3;
	s24 =	sor.u32 s12, s13;
	v37 =	vld [tilespmem:s23+$0x0]  }
0xcb: {  	s3 =	sadd.s32 $0x12C80, s3;
	v12 =	vld [tilespmem:s24+$0x0];
	s15 =	sor.u32 s2, s25  }
0xcc: {  	s9 =	simm.s32 $0x100;
	s13 =	sor.u32 s12, s22;
	v38 =	vld [tilespmem:s15+$0x0];
	s15 =	simm.s32 $0x20  }
0xcd: {  	s2 =	sor.u32 s2, s3;
	s26 =	sand.u32 $0x60, s15;
	v11 =	vadd.f32 v13, v11;
	v13 =	vld [tilespmem:s13+$0x0];
	s13 =	sand.u32 $0x1C00, s9  }
0xce: {  	s21 =	sor.u32 s12, s25;
	v39 =	vld [tilespmem:s2+$0x0];
	s7 =	sor.u32 $0x10, s26;
	s22 =	sadd.s32 $0x11500, s13  }
0xcf: {  	v11 =	vadd.f32 v14, v11;
	v14 =	vld [tilespmem:s21+$0x0];
	s6 =	sor.u32 s7, s22  }
0xd0: {  	v40 =	vld [tilespmem:s6+$0x0]  }
0xd1: {  	s2 =	sor.u32 s26, s22;
	v11 =	vadd.f32 v17, v11;
	v17 =	vld [tilespmem:s6+$0x80]  }
0xd2: {  	v41 =	vld [tilespmem:s2+$0x0]  }
0xd3: {  	s23 =	simm.s32 $0x1;
	v11 =	vadd.f32 v19, v11;
	v19 =	vld [tilespmem:s6+$0x100]  }
0xd4: {  	s5 =	sand.u32 $0x3, s23;
	v42 =	vld [tilespmem:s2+$0x80]  }
0xd5: {  	s5 =	sshll.u32 s5, $0x5;
	v11 =	vadd.f32 v21, v11;
	v21 =	vld [tilespmem:s6+$0x180]  }
0xd6: {  	s5 =	sadd.s32 $0x100, s5;
	v15 =	vadd.f32 v16, v15;
	v56 =	vld [tilespmem:s2+$0x100];
	v17 =	vadd.f32 v17, v40  }
0xd7: {  	s24 =	sadd.s32 $0x10, s5;
	v11 =	vadd.f32 v23, v11;
	v23 =	vld [tilespmem:s6+$0x200]  }
0xd8: {  	s21 =	sor.u32 $0x300, s24;
	v15 =	vadd.f32 v18, v15;
	v16 =	vld [tilespmem:s6+$0x280];
	v17 =	vadd.f32 v19, v17  }
0xd9: {  	s8 =	sor.u32 $0x380, s24;
	s22 =	sadd.s32 $0x12980, s13;
	v18 =	vld [tilespmem:s21+$0x11500]  }
0xda: {  	s23 =	sor.u32 s7, s22;
	s21 =	sor.u32 s26, s22;
	s22 =	sadd.s32 $0x12A80, s13;
	v15 =	vadd.f32 v20, v15;
	v20 =	vld [tilespmem:s8+$0x11500];
	v17 =	vadd.f32 v21, v17  }
0xdb: {  	s25 =	sadd.s32 $0x12900, s13;
	v57 =	vld [tilespmem:s23+$0x0];
	s23 =	sor.u32 s7, s22;
	v11 =	vadd.f32 v25, v11  }
0xdc: {  	s9 =	sor.u32 s9, s15;
	s15 =	sor.u32 s7, s25;
	v59 =	vld [tilespmem:s23+$0x0];
	v17 =	vadd.f32 v23, v17  }
0xdd: {  	v15 =	vadd.f32 v22, v15;
	v22 =	vld [tilespmem:s15+$0x0];
	v11 =	vadd.f32 v27, v11  }
0xde: {  	v19 =	vld [tilespmem:s2+$0x180];
	v16 =	vadd.f32 v16, v17  }
0xdf: {  	v15 =	vadd.f32 v24, v15;
	v21 =	vld [tilespmem:s2+$0x200];
	v11 =	vadd.f32 v29, v11  }
0xe0: {  	s5 =	sor.u32 $0x300, s5;
	v23 =	vld [tilespmem:s2+$0x280];
	v16 =	vadd.f32 v18, v16  }
0xe1: {  	s24 =	sor.u32 s26, s25;
	s25 =	sadd.s32 $0x12A00, s13;
	s8 =	sor.u32 $0x380, s9;
	v15 =	vadd.f32 v26, v15;
	v17 =	vld [tilespmem:s5+$0x11500];
	v11 =	vadd.f32 v31, v11  }
0xe2: {  	v18 =	vld [tilespmem:s8+$0x11500];
	s8 =	sor.u32 s7, s25;
	v16 =	vadd.f32 v20, v16  }
0xe3: {  	v15 =	vadd.f32 v28, v15;
	v11 =	vadd.f32 v33, v11;
	v58 =	vld [tilespmem:s8+$0x0]  }
0xe4: {  	v20 =	vld [tilespmem:s24+$0x0];
	s24 =	sor.u32 s26, s25;
	v16 =	vadd.f32 v22, v16  }
0xe5: {  	v15 =	vadd.f32 v30, v15;
	s25 =	sadd.s32 $0x12B00, s13;
	v11 =	vadd.f32 v35, v11;
	v60 =	vld [tilespmem:s24+$0x0]  }
0xe6: {  	s8 =	sor.u32 s7, s25;
	v22 =	vld [tilespmem:s21+$0x0];
	v16 =	vadd.f32 v57, v16  }
0xe7: {  	v15 =	vadd.f32 v32, v15;
	s21 =	sor.u32 s26, s22;
	s22 =	sadd.s32 $0x12B80, s13;
	v61 =	vld [tilespmem:s8+$0x0];
	v11 =	vadd.f32 v37, v11  }
0xe8: {  	v41 =	vadd.f32 v42, v41;
	v62 =	vld [tilespmem:s21+$0x0];
	s23 =	sor.u32 s7, s22;
	v16 =	vadd.f32 v58, v16  }
0xe9: {  	s5 =	sadd.s32 $0x12C00, s13;
	v15 =	vadd.f32 v34, v15;
	s15 =	sor.u32 s26, s25;
	v63 =	vld [tilespmem:s23+$0x0];
	v11 =	vadd.f32 v38, v11  }
0xea: {  	v31 =	vadd.f32 v56, v41;
	s25 =	sor.u32 s7, s5;
	s24 =	sor.u32 s26, s22;
	v37 =	vld [tilespmem:s15+$0x0];
	s22 =	sadd.s32 $0x12C80, s13;
	v16 =	vadd.f32 v59, v16  }
0xeb: {  	v15 =	vadd.f32 v36, v15;
	s21 =	simm.s32 $0x200;
	s7 =	sor.u32 s7, s22;
	v11 =	vadd.f32 v39, v11;
	v39 =	vld [tilespmem:s25+$0x0];
	s25 =	simm.s32 $0x40  }
0xec: {  	v19 =	vadd.f32 v19, v31;
	s23 =	sand.u32 $0x1C00, s21;
	v43 =	vld [tilespmem:s7+$0x0];
	s28 =	sand.u32 $0x60, s25;
	v16 =	vadd.f32 v61, v16  }
0xed: {  	s3 =	sor.u32 s12, s3;
	v12 =	vadd.f32 v12, v15;
	s15 =	sadd.s32 $0x11500, s23;
	v38 =	vadd.f32 $1.000000000e+00, v11;
	v11 =	vld [tilespmem:s24+$0x0];
	s24 =	sor.u32 $0x10, s28  }
0xee: {  	v44 =	vld [tilespmem:s3+$0x0];
	v19 =	vadd.f32 v21, v19;
	s12 =	sor.u32 s24, s15;
	v16 =	vadd.f32 v63, v16  }
0xef: {  	v12 =	vadd.f32 v13, v12;
	v42 =	vshra.s32 v38, $0x1;
	v29 =	vmul.f32 $5.000000000e-01, v38;
	v45 =	vld [tilespmem:s12+$0x0]  }
0xf0: {  	s13 =	sor.u32 s28, s15;
	v46 =	vld [tilespmem:s12+$0x80];
	v27 =	vsub.s32 $0x5F3759DF, v42;
	v16 =	vadd.f32 v39, v16  }
0xf1: {  	v19 =	vadd.f32 v23, v19;
	v12 =	vadd.f32 v14, v12;
	v14 =	vld [tilespmem:s13+$0x80];
	v15 =	vmul.f32 v27, v29  }
0xf2: {  	v21 =	vld [tilespmem:s12+$0x100];
	v16 =	vadd.f32 v43, v16  }
0xf3: {  	v17 =	vadd.f32 v17, v19;
	v13 =	vmul.f32 v27, v15;
	v15 =	vld [tilespmem:s13+$0x0]  }
0xf4: {  	v12 =	vadd.f32 v44, v12;
	v23 =	vld [tilespmem:s12+$0x180];
	v16 =	vadd.f32 $1.000000000e+00, v16  }
0xf5: {  	v17 =	vadd.f32 v18, v17;
	s15 =	simm.s32 $0x2;
	v47 =	vld [tilespmem:s13+$0x100];
	v48 =	vadd.f32 v46, v45  }
0xf6: {  	v12 =	vadd.f32 $1.000000000e+00, v12;
	s7 =	sand.u32 $0x3, s15;
	v19 =	vshra.s32 v16, $0x1;
	v49 =	vmul.f32 $5.000000000e-01, v16;
	v16 =	vld [tilespmem:s12+$0x200]  }
0xf7: {  	v50 =	vld [tilespmem:s13+$0x180];
	s3 =	sshll.u32 s7, $0x5;
	v13 =	vsub.f32 $1.500000000e+00, v13;
	v21 =	vadd.f32 v21, v48  }
0xf8: {  	s5 =	sor.u32 s26, s5;
	v18 =	vshra.s32 v12, $0x1;
	s3 =	sadd.s32 $0x200, s3;
	v14 =	vadd.f32 v14, v15;
	v15 =	vld [tilespmem:s12+$0x280];
	v19 =	vsub.s32 $0x5F3759DF, v19  }
0xf9: {  	v53 =	vld [tilespmem:s5+$0x0];
	s8 =	sadd.s32 $0x10, s3;
	v13 =	vmul.f32 v27, v13;
	v21 =	vadd.f32 v23, v21;
	v52 =	vmul.f32 v19, v49  }
0xfa: {  	v18 =	vsub.s32 $0x5F3759DF, v18;
	s9 =	sor.u32 $0x300, s8;
	v23 =	vmul.f32 $5.000000000e-01, v12;
	v12 =	vld [tilespmem:s13+$0x200];
	v14 =	vadd.f32 v47, v14  }
0xfb: {  	v54 =	vld [tilespmem:s9+$0x11500];
	v51 =	vmul.f32 v13, v29;
	v32 =	vmul.f32 v19, v52;
	v16 =	vadd.f32 v16, v21  }
0xfc: {  	v17 =	vadd.f32 v20, v17;
	s5 =	sor.u32 $0x380, s8;
	v20 =	vmul.f32 v18, v23;
	v14 =	vadd.f32 v50, v14;
	v21 =	vld [tilespmem:s13+$0x280]  }
0xfd: {  	s3 =	sor.u32 $0x300, s3;
	v28 =	vmul.f32 v51, v13;
	v32 =	vsub.f32 $1.500000000e+00, v32;
	v15 =	vadd.f32 v15, v16;
	v16 =	vld [tilespmem:s5+$0x11500];
	s5 =	sadd.s32 $0x12900, s23  }
0xfe: {  	s21 =	sor.u32 s21, s25;
	v17 =	vadd.f32 v22, v17;
	v55 =	vld [tilespmem:s3+$0x11500];
	v20 =	vmul.f32 v18, v20;
	s25 =	sor.u32 s24, s5  }
0xff: {  	s7 =	sor.u32 $0x380, s21;
	s8 =	sadd.s32 $0x12980, s23;
	v28 =	vsub.f32 $1.500000000e+00, v28;
	v12 =	vadd.f32 v12, v14;
	v19 =	vmul.f32 v19, v32;
	v14 =	vld [tilespmem:s25+$0x0]  }
0x100: {  	v22 =	vld [tilespmem:s7+$0x11500];
	s9 =	sor.u32 s24, s8;
	v20 =	vsub.f32 $1.500000000e+00, v20;
	v15 =	vadd.f32 v54, v15  }
0x101: {  	v13 =	vmul.f32 v28, v13;
	v56 =	vmul.f32 v19, v49;
	v12 =	vadd.f32 v21, v12;
	v21 =	vld [tilespmem:s9+$0x0]  }
0x102: {  	s21 =	sadd.s32 $0x12A00, s23;
	s5 =	sor.u32 s28, s5;
	v18 =	vmul.f32 v18, v20;
	v15 =	vadd.f32 v16, v15  }
0x103: {  	v17 =	vadd.f32 v60, v17;
	s25 =	sor.u32 s24, s21;
	v57 =	vmul.f32 v13, v29;
	v16 =	vld [tilespmem:s5+$0x0];
	v20 =	vmul.f32 v56, v19  }
0x104: {  	s3 =	sor.u32 s28, s8;
	s8 =	sadd.s32 $0x12A80, s23;
	v58 =	vld [tilespmem:s25+$0x0];
	v59 =	vmul.f32 v18, v23;
	v12 =	vadd.f32 v55, v12;
	v14 =	vadd.f32 v14, v15  }
0x105: {  	v17 =	vadd.f32 v62, v17;
	s9 =	sor.u32 s24, s8;
	v24 =	vmul.f32 v57, v13;
	v15 =	vld [tilespmem:s3+$0x0];
	v20 =	vsub.f32 $1.500000000e+00, v20  }
0x106: {  	s7 =	sor.u32 s28, s21;
	s21 =	sadd.s32 $0x12B00, s23;
	v60 =	vld [tilespmem:s9+$0x0];
	v22 =	vadd.f32 v22, v12;
	v14 =	vadd.f32 v21, v14;
	v21 =	vmul.f32 v59, v18  }
0x107: {  	v17 =	vadd.f32 v37, v17;
	s25 =	sor.u32 s24, s21;
	v12 =	vmul.f32 v20, v19;
	v19 =	vld [tilespmem:s7+$0x0];
	v20 =	vsub.f32 $1.500000000e+00, v24  }
0x108: {  	v61 =	vld [tilespmem:s25+$0x0];
	s5 =	sor.u32 s28, s8;
	s8 =	sadd.s32 $0x12B80, s23;
	v22 =	vadd.f32 v16, v22;
	v21 =	vsub.f32 $1.500000000e+00, v21  }
0x109: {  	v11 =	vadd.f32 v11, v17;
	s9 =	sor.u32 s24, s8;
	v16 =	vld [tilespmem:s5+$0x0];
	v14 =	vadd.f32 v58, v14;
	v62 =	vmul.f32 v12, v49  }
0x10a: {  	s3 =	sor.u32 s28, s21;
	v17 =	vld [tilespmem:s9+$0x0];
	s21 =	sadd.s32 $0x12C00, s23;
	v63 =	vmul.f32 v20, v13;
	v15 =	vadd.f32 v15, v22;
	v13 =	vmul.f32 v21, v18  }
0x10b: {  	s26 =	sor.u32 s26, s22;
	s22 =	simm.s32 $0x4;
	s25 =	sor.u32 s24, s21;
	v18 =	vld [tilespmem:s3+$0x0];
	v22 =	vadd.f32 v60, v14;
	v25 =	vmul.f32 v62, v12  }
0x10c: {  	v11 =	vadd.f32 v53, v11;
	s7 =	sor.u32 s28, s8;
	s5 =	sadd.s32 $0x12C80, s23;
	s23 =	simm.s32 $0x60;
	v20 =	vld [tilespmem:s25+$0x0];
	v21 =	vadd.f32 v19, v15;
	v14 =	vmul.f32 v13, v23  }
0x10d: {  	s3 =	sor.u32 s28, s21;
	[tilespmem:s14+$0x0] =	vst v63;
	s14 =	simm.s32 $0x300;
	v19 =	vld [tilespmem:s7+$0x0];
	s7 =	sor.u32 s24, s5;
	v22 =	vadd.f32 v61, v22;
	v15 =	vsub.f32 $1.500000000e+00, v25  }
.LBB2_10:
0x10e: {  	s8 =	sand.u32 $0x60, s23;
	s24 =	sand.u32 $0x1C00, s14;
	s9 =	sor.u32 s14, s23;
	v16 =	vadd.f32 v16, v21;
	v21 =	vld [tilespmem:s7+$0x0];
	v14 =	vmul.f32 v14, v13  }
0x10f: {  	s22 =	sadd.s32 $0x2, s22;
	s7 =	sadd.s32 $0x11500, s24;
	s25 =	sor.u32 $0x10, s8;
	v23 =	vld [tilespmem:s3+$0x0];
	v17 =	vadd.f32 v17, v22;
	v12 =	vmul.f32 v15, v12  }
0x110: {  	p0 =	slt.u32 s22, $0x26;
	s21 =	sor.u32 s8, s7;
	s7 =	sor.u32 s25, s7;
	v15 =	vadd.f32 v18, v16;
	v16 =	vld [tilespmem:s26+$0x0];
	v14 =	vsub.f32 $1.500000000e+00, v14  }
0x111: {  	s3 =	sor.u32 $0x380, s9;
	s26 =	sor.u32 s28, s5;
	s28 =	smov.u32 s8;
	v18 =	vld [tilespmem:s7+$0x0];
	v17 =	vadd.f32 v20, v17;
	[tilespmem:s6+$0x0] =	vst v12  }
0x112: {  	s6 =	smov.u32 s12;
	s12 =	smov.u32 s7;
	v12 =	vld [tilespmem:s7+$0x80];
	v15 =	vadd.f32 v19, v15;
	v13 =	vmul.f32 v14, v13  }
0x113: {  	v14 =	vld [tilespmem:s21+$0x0];
	v17 =	vadd.f32 v21, v17  }
0x114: {  	v19 =	vld [tilespmem:s12+$0x100];
	v15 =	vadd.f32 v23, v15;
	[tilespmem:s0+$0x0] =	vst v13;
	s0 =	smov.u32 s2;
	s2 =	smov.u32 s13;
	s13 =	smov.u32 s21  }
0x115: {  	v13 =	vld [tilespmem:s13+$0x80];
	v17 =	vadd.f32 $1.000000000e+00, v17;
	v16 =	vadd.f32 v16, v11  }
0x116: {  	s15 =	sadd.s32 $0x1, s15;
	v20 =	vld [tilespmem:s12+$0x180];
	v11 =	vmov v15  }
0x117: {  	s5 =	sand.u32 $0x3, s15;
	v15 =	vld [tilespmem:s13+$0x100];
	v12 =	vadd.f32 v12, v18;
	v18 =	vshra.s32 v17, $0x1;
	v17 =	vmul.f32 $5.000000000e-01, v17  }
0x118: {  	s5 =	sshll.u32 s5, $0x5;
	v16 =	vadd.f32 $1.000000000e+00, v16;
	v21 =	vld [tilespmem:s12+$0x200];
	v18 =	vsub.s32 $0x5F3759DF, v18  }
0x119: {  	s5 =	sadd.s32 s5, s14;
	v22 =	vld [tilespmem:s13+$0x180];
	v12 =	vadd.f32 v19, v12;
	v19 =	vmul.f32 v18, v17  }
0x11a: {  	s7 =	sor.u32 $0x300, s5;
	s5 =	sadd.s32 $0x10, s5;
	v23 =	vshra.s32 v16, $0x1;
	v24 =	vmul.f32 $5.000000000e-01, v16;
	v13 =	vadd.f32 v13, v14;
	v14 =	vld [tilespmem:s12+$0x280]  }
0x11b: {  	s8 =	sor.u32 $0x300, s5;
	v16 =	vld [tilespmem:s13+$0x200];
	v12 =	vadd.f32 v20, v12;
	v19 =	vmul.f32 v18, v19;
	v20 =	vsub.s32 $0x5F3759DF, v23  }
0x11c: {  	v13 =	vadd.f32 v15, v13;
	v15 =	vld [tilespmem:s8+$0x11500];
	v23 =	vmul.f32 v20, v24  }
0x11d: {  	s5 =	sor.u32 $0x380, s5;
	v25 =	vld [tilespmem:s13+$0x280];
	v12 =	vadd.f32 v21, v12;
	v19 =	vsub.f32 $1.500000000e+00, v19  }
0x11e: {  	s8 =	sadd.s32 $0x12900, s24;
	v13 =	vadd.f32 v22, v13;
	v21 =	vld [tilespmem:s5+$0x11500];
	v22 =	vmul.f32 v20, v23  }
0x11f: {  	s5 =	sor.u32 s28, s8;
	v23 =	vld [tilespmem:s7+$0x11500];
	v12 =	vadd.f32 v14, v12;
	s7 =	sor.u32 s25, s8;
	v14 =	vmul.f32 v18, v19  }
0x120: {  	s8 =	sadd.s32 $0x12980, s24;
	v13 =	vadd.f32 v16, v13;
	v16 =	vld [tilespmem:s7+$0x0];
	v18 =	vsub.f32 $1.500000000e+00, v22  }
0x121: {  	s7 =	sor.u32 s25, s8;
	v19 =	vld [tilespmem:s3+$0x11500];
	s3 =	sor.u32 s28, s8;
	v12 =	vadd.f32 v15, v12;
	v15 =	vmul.f32 v14, v17  }
0x122: {  	s8 =	sadd.s32 $0x12A00, s24;
	v13 =	vadd.f32 v25, v13;
	v22 =	vld [tilespmem:s7+$0x0];
	v18 =	vmul.f32 v20, v18  }
0x123: {  	s7 =	sor.u32 s25, s8;
	v20 =	vld [tilespmem:s5+$0x0];
	s5 =	sor.u32 s28, s8;
	v12 =	vadd.f32 v21, v12;
	v15 =	vmul.f32 v15, v14  }
0x124: {  	s8 =	sadd.s32 $0x12A80, s24;
	v13 =	vadd.f32 v23, v13;
	v21 =	vld [tilespmem:s7+$0x0];
	v23 =	vmul.f32 v18, v24  }
0x125: {  	s7 =	sor.u32 s25, s8;
	v25 =	vld [tilespmem:s3+$0x0];
	s3 =	sor.u32 s28, s8;
	v12 =	vadd.f32 v16, v12;
	v15 =	vsub.f32 $1.500000000e+00, v15  }
0x126: {  	s8 =	sadd.s32 $0x12B00, s24;
	v13 =	vadd.f32 v19, v13;
	v19 =	vld [tilespmem:s7+$0x0];
	v16 =	vmul.f32 v23, v18  }
0x127: {  	s7 =	sor.u32 s25, s8;
	v23 =	vld [tilespmem:s5+$0x0];
	s5 =	sor.u32 s28, s8;
	v22 =	vadd.f32 v22, v12;
	v12 =	vmul.f32 v15, v14  }
0x128: {  	s8 =	sadd.s32 $0x12B80, s24;
	v13 =	vadd.f32 v20, v13;
	v15 =	vld [tilespmem:s7+$0x0];
	v14 =	vsub.f32 $1.500000000e+00, v16  }
.Ltmp4:
0x129: {  	s7 =	sor.u32 s28, s8;
	v16 =	vld [tilespmem:s3+$0x0];
	v20 =	vadd.f32 v21, v22;
	s3 =	sor.u32 s25, s8;
	v21 =	vmul.f32 v12, v17;
	(pc) =	sbr.rel @p0 .LBB2_10-.Ltmp4, $4  }
0x12a: {  	s8 =	sadd.s32 $0x12C00, s24;
	v22 =	vadd.f32 v25, v13;
	v17 =	vld [tilespmem:s3+$0x0];
	v13 =	vmul.f32 v14, v18  }
0x12b: {  	s3 =	sor.u32 s28, s8;
	s8 =	sor.u32 s25, s8;
	v18 =	vld [tilespmem:s5+$0x0];
	v25 =	vadd.f32 v19, v20;
	v26 =	vmul.f32 v21, v12  }
0x12c: {  	s5 =	sadd.s32 $0x12C80, s24;
	v21 =	vadd.f32 v23, v22;
	v20 =	vld [tilespmem:s8+$0x0];
	v14 =	vmul.f32 v13, v24  }
0x12d: {  	s23 =	sadd.s32 $0x20, s23;
	s14 =	sadd.s32 $0x100, s14;
	v19 =	vld [tilespmem:s7+$0x0];
	v22 =	vadd.f32 v15, v25;
	s7 =	sor.u32 s25, s5;
	v15 =	vsub.f32 $1.500000000e+00, v26  }
0x12e: {  	v16 =	vadd.f32 v16, v21;
	v52 =	vld [tilespmem:s7+$0x0]  }
0x12f: {  	v23 =	vld [tilespmem:s3+$0x0];
	v17 =	vadd.f32 v17, v22  }
0x130: {  	s14 =	sor.u32 s28, s5;
	v16 =	vadd.f32 v18, v16;
	v18 =	vld [tilespmem:s26+$0x0]  }
0x131: {  	v53 =	vld [tilespmem:s14+$0x0];
	v17 =	vadd.f32 v20, v17  }
0x132: {  	v16 =	vadd.f32 v19, v16  }
0x133: {  	v17 =	vadd.f32 v52, v17  }
0x134: {  	v16 =	vadd.f32 v23, v16  }
0x135: {  	v17 =	vadd.f32 $1.000000000e+00, v17;
	v11 =	vadd.f32 v18, v11  }
0x136: {  	v16 =	vadd.f32 v53, v16  }
0x137: {  	v18 =	vshra.s32 v17, $0x1;
	v17 =	vmul.f32 $5.000000000e-01, v17;
	v11 =	vadd.f32 $1.000000000e+00, v11  }
0x138: {  	v18 =	vsub.s32 $0x5F3759DF, v18;
	v16 =	vadd.f32 $1.000000000e+00, v16  }
0x139: {  	v19 =	vmul.f32 v18, v17;
	v54 =	vshra.s32 v11, $0x1;
	v11 =	vmul.f32 $5.000000000e-01, v11  }
0x13a: {  	v20 =	vsub.s32 $0x5F3759DF, v54;
	v55 =	vshra.s32 v16, $0x1;
	v16 =	vmul.f32 $5.000000000e-01, v16  }
0x13b: {  	v56 =	vmul.f32 v20, v11;
	v21 =	vsub.s32 $0x5F3759DF, v55  }
0x13c: {  	v19 =	vmul.f32 v18, v19;
	v57 =	vmul.f32 v21, v16  }
0x13d: {  	v22 =	vmul.f32 v20, v56  }
0x13e: {  	v19 =	vsub.f32 $1.500000000e+00, v19;
	v23 =	vmul.f32 v21, v57  }
0x13f: {  	v22 =	vsub.f32 $1.500000000e+00, v22  }
0x140: {  	v18 =	vmul.f32 v18, v19;
	v19 =	vsub.f32 $1.500000000e+00, v23  }
0x141: {  	v20 =	vmul.f32 v20, v22  }
0x142: {  	v58 =	vmul.f32 v18, v17;
	v19 =	vmul.f32 v21, v19  }
0x143: {  	v59 =	vmul.f32 v20, v11  }
0x144: {  	v22 =	vmul.f32 v58, v18;
	v60 =	vmul.f32 v19, v16  }
0x145: {  	v21 =	vmul.f32 v59, v20  }
0x146: {  	v22 =	vsub.f32 $1.500000000e+00, v22;
	v23 =	vmul.f32 v60, v19  }
0x147: {  	v21 =	vsub.f32 $1.500000000e+00, v21  }
0x148: {  	v18 =	vmul.f32 v22, v18;
	v61 =	vsub.f32 $1.500000000e+00, v23  }
0x149: {  	v20 =	vmul.f32 v21, v20  }
0x14a: {  	v17 =	vmul.f32 v18, v17;
	v19 =	vmul.f32 v61, v19  }
0x14b: {  	v14 =	vmul.f32 v14, v13;
	v11 =	vmul.f32 v20, v11  }
0x14c: {  	v17 =	vmul.f32 v17, v18;
	v16 =	vmul.f32 v19, v16  }
0x14d: {  	v14 =	vsub.f32 $1.500000000e+00, v14;
	v11 =	vmul.f32 v11, v20  }
0x14e: {  	v12 =	vmul.f32 v15, v12;
	v15 =	vsub.f32 $1.500000000e+00, v17;
	v16 =	vmul.f32 v16, v19  }
0x14f: {  	v13 =	vmul.f32 v14, v13;
	v11 =	vsub.f32 $1.500000000e+00, v11  }
0x150: {  	[tilespmem:s6+$0x0] =	vst v12;
	v12 =	vmul.f32 v15, v18;
	v14 =	vsub.f32 $1.500000000e+00, v16  }
0x151: {  	[tilespmem:s0+$0x0] =	vst v13;
	v11 =	vmul.f32 v11, v20  }
0x152: {  	[tilespmem:s12+$0x0] =	vst v12;
	v12 =	vmul.f32 v14, v19  }
0x153: {  	[tilespmem:s2+$0x0] =	vst v11  }
0x154: {  	[tilespmem:s13+$0x0] =	vst v12  }
0x155: {  	s0 =	rddreg [dreg:$0x17]  }
0x156: {  	[spmem:s0] =	stream.linear.scatter [tilespmem:s16], [sflag:$0x3], $0x80, $0x38;
	[tilespmem:$0x16780] =	vst v63  }
0x157: {  	s15 =	rddreg [dreg:$0x18];
	s16 =	simm.s32 $0x11900  }
0x158: {  	[spmem:s15] =	stream.linear.scatter [tilespmem:s16], [sflag:$0x3], $0x80, $0x38;
	[tilespmem:$0x16780] =	vst v63  }
0x159: {  	s22 =	simm.s32 $0x11D00;
	s21 =	rddreg [dreg:$0x19]  }
0x15a: {  	[spmem:s21] =	stream.linear.scatter [tilespmem:s22], [sflag:$0x3], $0x80, $0x38;
	[tilespmem:$0x16780] =	vst v63  }
0x15b: {  	s24 =	simm.s32 $0x12100;
	s23 =	rddreg [dreg:$0x1a]  }
0x15c: {  	[spmem:s23] =	stream.linear.scatter [tilespmem:s24], [sflag:$0x3], $0x80, $0x38;
	[tilespmem:$0x16780] =	vst v63  }
0x15d: {  	s26 =	simm.s32 $0x12500;
	s25 =	rddreg [dreg:$0x1b]  }
0x15e: {  	[spmem:s25] =	stream.linear.scatter [tilespmem:s26], [sflag:$0x3], $0x80, $0x38;
	[tilespmem:$0x16780] =	vst v63  }
0x15f: {  	_ =	swait.ge [sflag:s1], $0x280  }
0x160: {  	[sflag:s1] =	ssyncset.done $0x0  }
0x161: {  	[sflag:s1] =	ssyncadd.s32 $0xFFFFFD80  }
0x162: {  	s28 =	simm.s32 $0xED00;
	[bflag:$0x0] =	sbarrier.arrive $0xFFFF  }
0x163: {  	[tilespmem:s28], [sflag:$0x3] =	stream.linear.gather [spmem:s30], $0x2800, $0x38;
	[tilespmem:$0x16780] =	vst v63  }
0x164: {  	_ =	swait.ge [sflag:s1], $0x2800  }
0x165: {  	[sflag:s1] =	ssyncset.done $0x0  }
0x166: {  	s30 =	simm.s32 $0x2;
	[sflag:s1] =	ssyncadd.s32 $0xFFFFD800  }
0x167: {  	_ =	swait.ge [sflag:s30], $0x2800  }
0x168: {  	[sflag:s30] =	ssyncset.done $0x0  }
0x169: {  	s0 =	simm.s32 $0x9D40;
	[sflag:s30] =	ssyncadd.s32 $0xFFFFD800  }
0x16a: {  	s2 =	simm.s32 $0xED40;
	v12 =	vld [tilespmem:s0+$0x30]  }
0x16b: {  	v13 =	vld [tilespmem:s2+$0x30]  }
0x16c: {  	v11 =	vld [tilespmem:s2+$0xFFFFFFC0]  }
0x16d: {  	v14 =	vld [tilespmem:s0+$0xFFFFFFD0]  }
0x16e: {  	v15 =	vld [tilespmem:s2+$0xFFFFFFD0]  }
0x16f: {  	v16 =	vld [tilespmem:s0+$0xFFFFFFE0]  }
0x170: {  	v17 =	vld [tilespmem:s2+$0xFFFFFFE0]  }
0x171: {  	v18 =	vld [tilespmem:s0+$0xFFFFFFF0]  }
0x172: {  	v19 =	vld [tilespmem:s2+$0xFFFFFFF0]  }
0x173: {  	v62 =	vld [tilespmem:s0+$0x0]  }
0x174: {  	v63 =	vld [tilespmem:s2+$0x0];
	v13 =	vmul.f32 v13, v12  }
0x175: {  	v15 =	vmul.f32 v15, v14;
	v12 =	vld [tilespmem:s0+$0x10]  }
0x176: {  	v16 =	vmul.f32 v17, v16;
	v14 =	vld [tilespmem:s2+$0x10];
	[tilespmem:s0+$0x30] =	vst v13  }
0x177: {  	v17 =	vmul.f32 v19, v18;
	[tilespmem:s0+$0xFFFFFFD0] =	vst v15;
	v13 =	vld [tilespmem:s0+$0x20]  }
0x178: {  	[tilespmem:s0+$0xFFFFFFE0] =	vst v16;
	v16 =	vld [tilespmem:s2+$0x20]  }
0x179: {  	s3 =	simm.s32 $0x0;
	s5 =	simm.s32 $0x9DC0;
	v15 =	vld [tilespmem:s0+$0xFFFFFFC0];
	[tilespmem:s0+$0xFFFFFFF0] =	vst v17;
	v17 =	vmul.f32 v63, v62  }
.LBB2_12:
0x17a: {  	v18 =	vld [tilespmem:s5+$0x30];
	s2 =	sadd.s32 $0x80, s2  }
0x17b: {  	s3 =	sadd.s32 $0x8, s3;
	v19 =	vld [tilespmem:s2+$0x30];
	[tilespmem:s0+$0x0] =	vst v17;
	v12 =	vmul.f32 v14, v12  }
0x17c: {  	p0 =	slt.u32 s3, $0x278;
	v14 =	vld [tilespmem:s2+$0xFFFFFFC0]  }
0x17d: {  	v17 =	vld [tilespmem:s5+$0xFFFFFFD0];
	[tilespmem:s0+$0x10] =	vst v12;
	v12 =	vmul.f32 v16, v13  }
0x17e: {  	v13 =	vld [tilespmem:s2+$0xFFFFFFD0];
	v20 =	vmul.f32 v11, v15  }
0x17f: {  	v15 =	vld [tilespmem:s5+$0xFFFFFFE0];
	[tilespmem:s0+$0x20] =	vst v12  }
0x180: {  	v12 =	vld [tilespmem:s2+$0xFFFFFFE0];
	v16 =	vmul.f32 v19, v18;
	[tilespmem:s0+$0xFFFFFFC0] =	vst v20;
	s0 =	smov.u32 s5  }
0x181: {  	v18 =	vld [tilespmem:s5+$0xFFFFFFF0];
	v11 =	vmov v14  }
0x182: {  	s14 =	simm.s32 $0x0;
	v19 =	vld [tilespmem:s2+$0xFFFFFFF0];
	[tilespmem:s5+$0x30] =	vst v16  }
0x183: {  	v13 =	vmul.f32 v13, v17;
	v17 =	vld [tilespmem:s5+$0x0]  }
0x184: {  	v20 =	vld [tilespmem:s2+$0x0]  }
.Ltmp5:
0x185: {  	[tilespmem:s5+$0xFFFFFFD0] =	vst v13;
	v13 =	vmul.f32 v12, v15;
	v12 =	vld [tilespmem:s5+$0x10];
	(pc) =	sbr.rel @p0 .LBB2_12-.Ltmp5, $4  }
0x186: {  	v14 =	vld [tilespmem:s2+$0x10]  }
0x187: {  	[tilespmem:s5+$0xFFFFFFE0] =	vst v13;
	v18 =	vmul.f32 v19, v18;
	v13 =	vld [tilespmem:s5+$0x20]  }
0x188: {  	v16 =	vld [tilespmem:s2+$0x20]  }
0x189: {  	s5 =	sadd.s32 $0x80, s5;
	v15 =	vld [tilespmem:s0+$0xFFFFFFC0];
	[tilespmem:s0+$0xFFFFFFF0] =	vst v18;
	v17 =	vmul.f32 v20, v17  }
0x18a: {  	_ =	sdelay $0x1  }
0x18b: {  	v12 =	vmul.f32 v14, v12  }
0x18c: {  	[tilespmem:s0+$0x0] =	vst v17;
	v13 =	vmul.f32 v16, v13  }
0x18d: {  	[tilespmem:s0+$0x10] =	vst v12;
	v11 =	vmul.f32 v11, v15  }
0x18e: {  	[tilespmem:s0+$0x20] =	vst v13  }
0x18f: {  	[tilespmem:s0+$0xFFFFFFC0] =	vst v11  }
0x190: {  	s22 =	sadd.s32 $0x0, s17;
	v11 =	vld.idx.msk [tilespmem:v8+s14+$0x10 ss:$0x1], $0xffff  }
0x191: {  	s23 =	sadd.s32 $0x0, s10;
	v19 =	vld [tilespmem:s22+$0xFFFFFF80]  }
0x192: {  	v20 =	vld [tilespmem:s23+$0xFFFFFF80]  }
0x193: {  	v26 =	vld [tilespmem:s22+$0x0]  }
0x194: {  	s24 =	sadd.s32 $0x0, s19;
	v27 =	vld [tilespmem:s23+$0x0]  }
0x195: {  	s25 =	sadd.s32 $0x0, s11;
	v28 =	vld [tilespmem:s24+$0xFFFFFF80]  }
0x196: {  	v29 =	vld [tilespmem:s25+$0xFFFFFF80]  }
0x197: {  	v30 =	vld [tilespmem:s24+$0x0]  }
0x198: {  	s26 =	sadd.s32 $0x0, s20;
	v31 =	vld [tilespmem:s25+$0x0]  }
0x199: {  	s30 =	sadd.s32 $0x0, s18;
	v32 =	vld [tilespmem:s26+$0xFFFFFF80]  }
0x19a: {  	v33 =	vld [tilespmem:s30+$0xFFFFFF80]  }
0x19b: {  	s0 =	rddreg [dreg:$0x6];
	v34 =	vld.idx.msk [tilespmem:v8+s14+$0x100 ss:$0x1], $0xffff  }
0x19c: {  	s2 =	rddreg [dreg:$0x5];
	v35 =	vld.idx.msk [tilespmem:v8+s14+$0x110 ss:$0x1], $0xffff;
	s0 =	sshrl.u32 s0, $0x2  }
0x19d: {  	v63 =	vld [tilespmem:s26+$0x0];
	s2 =	sshrl.u32 s2, $0x2;
	s3 =	sadd.s32 $0x0, s0  }
0x19e: {  	s2 =	sadd.s32 $0x0, s2;
	v12 =	vld [tilespmem:s3+$0xFFFFFF80]  }
0x19f: {  	s6 =	rddreg [dreg:$0xd];
	v13 =	vld [tilespmem:s2+$0xFFFFFF80]  }
0x1a0: {  	s13 =	rddreg [dreg:$0x15];
	s28 =	sshrl.u32 s6, $0x2;
	v15 =	vld [tilespmem:s3+$0x0]  }
0x1a1: {  	s6 =	sshrl.u32 s13, $0x2;
	s15 =	sadd.s32 $0x0, s28;
	v21 =	vld [tilespmem:s2+$0x0]  }
0x1a2: {  	s7 =	sadd.s32 $0x0, s6;
	v16 =	vld [tilespmem:s15+$0x0]  }
0x1a3: {  	s12 =	rddreg [dreg:$0xc];
	v17 =	vld [tilespmem:s7+$0x0]  }
0x1a4: {  	s0 =	sshrl.u32 s12, $0x2;
	v23 =	vld [tilespmem:s15+$0x80]  }
0x1a5: {  	s16 =	rddreg [dreg:$0x16];
	s5 =	sadd.s32 $0x0, s0;
	v24 =	vld [tilespmem:s7+$0x80]  }
0x1a6: {  	s2 =	sshrl.u32 s16, $0x2;
	v14 =	vld [tilespmem:s5+$0x0]  }
0x1a7: {  	v22 =	vld [tilespmem:s5+$0x80];
	s21 =	sadd.s32 $0x0, s2  }
0x1a8: {  	v18 =	vld [tilespmem:s21+$0xFFFFFF80]  }
0x1a9: {  	v25 =	vld [tilespmem:s21+$0x0]  }
0x1aa: {  	v41 =	vld.idx.msk [tilespmem:v19+s29+$0x0], $0xffff  }
0x1ab: {  	v42 =	vld.idx.msk [tilespmem:v20+s29+$0x0], $0xffff  }
0x1ac: {  	v28 =	vld.idx.msk [tilespmem:v28+s29+$0x0], $0xffff  }
0x1ad: {  	v29 =	vld.idx.msk [tilespmem:v29+s29+$0x0], $0xffff  }
0x1ae: {  	v32 =	vld.idx.msk [tilespmem:v32+s29+$0x0], $0xffff  }
0x1af: {  	v20 =	vld [tilespmem:s30+$0x0]  }
0x1b0: {  	v19 =	vld.idx.msk [tilespmem:v8+s14+$0x80 ss:$0x1], $0xffff  }
0x1b1: {  	v12 =	vld.idx.msk [tilespmem:v12+s29+$0x0], $0xffff  }
0x1b2: {  	v36 =	vld.idx.msk [tilespmem:v13+s29+$0x0], $0xffff  }
0x1b3: {  	v38 =	vld.idx.msk [tilespmem:v16+s29+$0x0], $0xffff  }
0x1b4: {  	v39 =	vld.idx.msk [tilespmem:v17+s29+$0x0], $0xffff  }
0x1b5: {  	v13 =	vld.idx.msk [tilespmem:v34+s29+$0x0], $0xffff  }
0x1b6: {  	v17 =	vld.idx.msk [tilespmem:v8+s14+$0x90 ss:$0x1], $0xffff  }
0x1b7: {  	v16 =	vld.idx.msk [tilespmem:v8+s14+$0x190 ss:$0x1], $0xffff  }
0x1b8: {  	v37 =	vld.idx.msk [tilespmem:v14+s29+$0x0], $0xffff  }
0x1b9: {  	v40 =	vld.idx.msk [tilespmem:v18+s29+$0x0], $0xffff  }
0x1ba: {  	v18 =	vld.idx.msk [tilespmem:v8+s14+$0x180 ss:$0x1], $0xffff  }
0x1bb: {  	[tilespmem:v26+s31+$0x0] =	vst.idx.add.f32.msk $0xffff, v41  }
0x1bc: {  	[tilespmem:v27+s31+$0x0] =	vst.idx.add.f32.msk $0xffff, v42  }
0x1bd: {  	[tilespmem:v30+s31+$0x0] =	vst.idx.add.f32.msk $0xffff, v28  }
0x1be: {  	[tilespmem:v31+s31+$0x0] =	vst.idx.add.f32.msk $0xffff, v29  }
0x1bf: {  	[tilespmem:v15+s31+$0x0] =	vst.idx.add.f32.msk $0xffff, v12  }
0x1c0: {  	v12 =	vld.idx.msk [tilespmem:v8+s14+$0x0 ss:$0x1], $0xffff  }
0x1c1: {  	[tilespmem:v63+s31+$0x0] =	vst.idx.add.f32.msk $0xffff, v32  }
0x1c2: {  	v15 =	vld.idx.msk [tilespmem:v33+s29+$0x0], $0xffff  }
0x1c3: {  	[tilespmem:v21+s31+$0x0] =	vst.idx.add.f32.msk $0xffff, v36  }
0x1c4: {  	[tilespmem:v23+s31+$0x0] =	vst.idx.add.f32.msk $0xffff, v38  }
0x1c5: {  	[tilespmem:v24+s31+$0x0] =	vst.idx.add.f32.msk $0xffff, v39  }
0x1c6: {  	[tilespmem:v22+s31+$0x0] =	vst.idx.add.f32.msk $0xffff, v37  }
0x1c7: {  	[tilespmem:v25+s31+$0x0] =	vst.idx.add.f32.msk $0xffff, v40  }
0x1c8: {  	v14 =	vld.idx.msk [tilespmem:v12+s29+$0x0], $0xffff  }
0x1c9: {  	v12 =	vld.idx.msk [tilespmem:v11+s29+$0x0], $0xffff  }
0x1ca: {  	s22 =	simm.s32 $0x0;
	s15 =	simm.s32 $0x0;
	v11 =	vld.idx.msk [tilespmem:v35+s29+$0x0], $0xffff  }
.LBB2_14:
0x1cb: {  	s22 =	sadd.s32 $0x200, s22  }
0x1cc: {  	s21 =	sadd.s32 s19, s22  }
0x1cd: {  	s26 =	sadd.s32 s11, s22;
	v21 =	vld [tilespmem:s21+$0xFFFFFF80]  }
0x1ce: {  	s23 =	sadd.s32 s20, s22;
	v22 =	vld [tilespmem:s26+$0xFFFFFF80]  }
0x1cf: {  	s7 =	sadd.s32 s0, s22;
	v23 =	vld [tilespmem:s23+$0xFFFFFF80]  }
0x1d0: {  	s5 =	rddreg [dreg:$0x6];
	s8 =	sadd.s32 s28, s22;
	v63 =	vld [tilespmem:s7+$0x80]  }
0x1d1: {  	s13 =	sshrl.u32 s5, $0x2;
	s5 =	sadd.s32 s6, s22;
	v33 =	vld [tilespmem:s8+$0x80]  }
0x1d2: {  	s24 =	sadd.s32 s2, s22;
	v34 =	vld [tilespmem:s5+$0x80]  }
0x1d3: {  	s9 =	sadd.s32 s17, s22;
	v35 =	vld [tilespmem:s24+$0x0]  }
0x1d4: {  	s25 =	sadd.s32 s10, s22;
	v36 =	vld [tilespmem:s9+$0x0]  }
0x1d5: {  	v37 =	vld [tilespmem:s25+$0x0]  }
0x1d6: {  	s3 =	rddreg [dreg:$0x5];
	v38 =	vld [tilespmem:s21+$0x0]  }
0x1d7: {  	s12 =	sshrl.u32 s3, $0x2;
	v39 =	vld [tilespmem:s26+$0x0]  }
0x1d8: {  	s30 =	sadd.s32 s12, s22;
	v40 =	vld [tilespmem:s23+$0x0]  }
0x1d9: {  	v62 =	vld [tilespmem:s30+$0x0]  }
0x1da: {  	[tilespmem:v20+s31+$0x0] =	vst.idx.add.f32.msk $0xffff, v15  }
0x1db: {  	[tilespmem:v19+s31+$0x0] =	vst.idx.add.f32.msk $0xffff, v14  }
0x1dc: {  	[tilespmem:v17+s31+$0x0] =	vst.idx.add.f32.msk $0xffff, v12  }
0x1dd: {  	[tilespmem:v18+s31+$0x0] =	vst.idx.add.f32.msk $0xffff, v13  }
0x1de: {  	s16 =	sadd.s32 s13, s22;
	[tilespmem:v16+s31+$0x0] =	vst.idx.add.f32.msk $0xffff, v11  }
0x1df: {  	v12 =	vld [tilespmem:s16+$0xFFFFFF80]  }
0x1e0: {  	v13 =	vld [tilespmem:s30+$0xFFFFFF80]  }
0x1e1: {  	v14 =	vld [tilespmem:s7+$0x0]  }
0x1e2: {  	v15 =	vld [tilespmem:s8+$0x0]  }
0x1e3: {  	v16 =	vld [tilespmem:s5+$0x0]  }
0x1e4: {  	v17 =	vld [tilespmem:s24+$0xFFFFFF80]  }
0x1e5: {  	v18 =	vld [tilespmem:s16+$0x0]  }
0x1e6: {  	v19 =	vld [tilespmem:s9+$0xFFFFFF80]  }
0x1e7: {  	v20 =	vld [tilespmem:s25+$0xFFFFFF80]  }
0x1e8: {  	s3 =	sadd.s32 s18, s22;
	v11 =	vld.idx.msk [tilespmem:v8+s22+$0x10 ss:$0x1], $0xffff  }
0x1e9: {  	v24 =	vld [tilespmem:s3+$0xFFFFFF80]  }
0x1ea: {  	v25 =	vld.idx.msk [tilespmem:v8+s22+$0x110 ss:$0x1], $0xffff  }
0x1eb: {  	v21 =	vld.idx.msk [tilespmem:v21+s29+$0x0], $0xffff  }
0x1ec: {  	v22 =	vld.idx.msk [tilespmem:v22+s29+$0x0], $0xffff  }
0x1ed: {  	v23 =	vld.idx.msk [tilespmem:v23+s29+$0x0], $0xffff  }
0x1ee: {  	v12 =	vld.idx.msk [tilespmem:v12+s29+$0x0], $0xffff  }
0x1ef: {  	v26 =	vld.idx.msk [tilespmem:v13+s29+$0x0], $0xffff  }
0x1f0: {  	v27 =	vld.idx.msk [tilespmem:v14+s29+$0x0], $0xffff  }
0x1f1: {  	v28 =	vld.idx.msk [tilespmem:v15+s29+$0x0], $0xffff  }
0x1f2: {  	v29 =	vld.idx.msk [tilespmem:v16+s29+$0x0], $0xffff  }
0x1f3: {  	v30 =	vld.idx.msk [tilespmem:v17+s29+$0x0], $0xffff  }
0x1f4: {  	v31 =	vld.idx.msk [tilespmem:v19+s29+$0x0], $0xffff  }
0x1f5: {  	v32 =	vld.idx.msk [tilespmem:v20+s29+$0x0], $0xffff  }
0x1f6: {  	v20 =	vld [tilespmem:s3+$0x0]  }
0x1f7: {  	v19 =	vld.idx.msk [tilespmem:v8+s22+$0x80 ss:$0x1], $0xffff  }
0x1f8: {  	v17 =	vld.idx.msk [tilespmem:v8+s22+$0x90 ss:$0x1], $0xffff  }
0x1f9: {  	v16 =	vld.idx.msk [tilespmem:v8+s22+$0x190 ss:$0x1], $0xffff  }
0x1fa: {  	v15 =	vld.idx.msk [tilespmem:v24+s29+$0x0], $0xffff  }
0x1fb: {  	[tilespmem:v38+s31+$0x0] =	vst.idx.add.f32.msk $0xffff, v21  }
0x1fc: {  	[tilespmem:v39+s31+$0x0] =	vst.idx.add.f32.msk $0xffff, v22  }
0x1fd: {  	[tilespmem:v40+s31+$0x0] =	vst.idx.add.f32.msk $0xffff, v23  }
0x1fe: {  	[tilespmem:v18+s31+$0x0] =	vst.idx.add.f32.msk $0xffff, v12  }
0x1ff: {  	v18 =	vld.idx.msk [tilespmem:v8+s22+$0x100 ss:$0x1], $0xffff  }
0x200: {  	v12 =	vld.idx.msk [tilespmem:v8+s22+$0x0 ss:$0x1], $0xffff  }
0x201: {  	[tilespmem:v62+s31+$0x0] =	vst.idx.add.f32.msk $0xffff, v26  }
0x202: {  	[tilespmem:v63+s31+$0x0] =	vst.idx.add.f32.msk $0xffff, v27  }
0x203: {  	[tilespmem:v33+s31+$0x0] =	vst.idx.add.f32.msk $0xffff, v28  }
0x204: {  	[tilespmem:v34+s31+$0x0] =	vst.idx.add.f32.msk $0xffff, v29  }
0x205: {  	[tilespmem:v35+s31+$0x0] =	vst.idx.add.f32.msk $0xffff, v30  }
0x206: {  	s15 =	sadd.s32 $0x10, s15;
	[tilespmem:v36+s31+$0x0] =	vst.idx.add.f32.msk $0xffff, v31  }
0x207: {  	p0 =	slt.u32 s15, $0x4D0;
	[tilespmem:v37+s31+$0x0] =	vst.idx.add.f32.msk $0xffff, v32  }
.Ltmp6:
0x208: {  	v14 =	vld.idx.msk [tilespmem:v12+s29+$0x0], $0xffff;
	(pc) =	sbr.rel @p0 .LBB2_14-.Ltmp6, $4  }
0x209: {  	v12 =	vld.idx.msk [tilespmem:v11+s29+$0x0], $0xffff  }
0x20a: {  	v13 =	vld.idx.msk [tilespmem:v18+s29+$0x0], $0xffff  }
0x20b: {  	v11 =	vld.idx.msk [tilespmem:v25+s29+$0x0], $0xffff  }
0x20c: {  	v18 =	vld.idx.msk [tilespmem:v8+s22+$0x180 ss:$0x1], $0xffff  }
0x20d: {  	_ =	sdelay $0x3  }
0x20e: {  	[tilespmem:v20+s31+$0x0] =	vst.idx.add.f32.msk $0xffff, v15  }
0x20f: {  	[tilespmem:v19+s31+$0x0] =	vst.idx.add.f32.msk $0xffff, v14  }
0x210: {  	[tilespmem:v17+s31+$0x0] =	vst.idx.add.f32.msk $0xffff, v12  }
0x211: {  	[tilespmem:v16+s31+$0x0] =	vst.idx.add.f32.msk $0xffff, v11  }
0x212: {  	[tilespmem:v18+s31+$0x0] =	vst.idx.add.f32.msk $0xffff, v13  }
.LBB2_16:
0x213: {  	s3 =	sshra.s32 s14, $0x2  }
0x214: {  	v11 =	vld.idx.msk [tilespmem:v8+s3+$0x9C00 ss:$0x1], $0xffff;
	_ =	sdelay $0x4  }
0x215: {  	v12 =	vld.idx.msk [tilespmem:v8+s3+$0x9C80 ss:$0x1], $0xffff;
	_ =	sdelay $0x2  }
0x216: {  	p0 =	sne.s32 s14, $0x40;
	v11 =	vld.idx.msk [tilespmem:v11+s29+$0x0], $0xffff  }
.Ltmp7:
0x217: {  	_ = 	snop;
	(pc) =	sbr.rel @p0 .LBB2_16-.Ltmp7, $2  }
0x218: {  	_ =	sdelay $0x2  }
0x219: {  	s14 =	sadd.s32 $0x40, s14;
	[tilespmem:v12+s31+$0x0] =	vst.idx.add.f32.msk $0xffff, v11  }
0x21a: {  	s3 =	rddreg [dreg:$0x9];
	s5 =	simm.s32 $0x80;
	s7 =	simm.s32 $0x400  }
0x21b: {  	[spmem:s3] =	stream.strided.scatter [tilespmem:s31], [sflag:$0x3], $0x2800, s7, s5, $0x38;
	[tilespmem:$0x16780] =	vst v63  }
0x21c: {  	_ =	swait.ge [sflag:s1], $0x2800  }
0x21d: {  	[sflag:s1] =	ssyncset.done $0x0  }
0x21e: {  	[sflag:s1] =	ssyncadd.s32 $0xFFFFD800  }
0x21f: {  	s26 =	simm.s32 $0x1400;
	s30 =	simm.s32 $0x14000;
	[bflag:$0x0] =	sbarrier.arrive $0xFFFF  }
0x220: {  	s8 =	simm.s32 $0x11500;
	s3 =	simm.s32 $0xC540;
	s25 =	rddreg [dreg:$0xa]  }
0x221: {  	[tilespmem:s8], [sflag:$0x1] =	stream.strided.gather [spmem:s25], $0x2800, s30, s26, $0x38;
	[tilespmem:$0x16780] =	vst v63  }
0x222: {  	[tilespmem:s3+$0xFFFFFFC0] =	vst v9  }
0x223: {  	[tilespmem:s3+$0x30] =	vst v9  }
0x224: {  	[tilespmem:s3+$0x20] =	vst v9  }
0x225: {  	[tilespmem:s3+$0x10] =	vst v9  }
0x226: {  	[tilespmem:s3+$0x0] =	vst v9  }
0x227: {  	[tilespmem:s3+$0xFFFFFFF0] =	vst v9  }
0x228: {  	s5 =	simm.s32 $0x0;
	s7 =	simm.s32 $0x1;
	[tilespmem:s3+$0xFFFFFFE0] =	vst v9  }
.LBB2_18:
0x229: {  	s5 =	sadd.s32 $0x8, s5;
	[tilespmem:s3+$0xFFFFFFD0] =	vst v9;
	s3 =	sadd.s32 $0x80, s3  }
0x22a: {  	[tilespmem:s3+$0xFFFFFFC0] =	vst v9;
	p0 =	slt.u32 s5, $0x278  }
0x22b: {  	[tilespmem:s3+$0x30] =	vst v9  }
.Ltmp8:
0x22c: {  	[tilespmem:s3+$0x20] =	vst v9;
	(pc) =	sbr.rel @p0 .LBB2_18-.Ltmp8, $4  }
0x22d: {  	[tilespmem:s3+$0x10] =	vst v9  }
0x22e: {  	[tilespmem:s3+$0x0] =	vst v9  }
0x22f: {  	[tilespmem:s3+$0xFFFFFFF0] =	vst v9  }
0x230: {  	[tilespmem:s3+$0xFFFFFFE0] =	vst v9  }
0x231: {  	[tilespmem:s3+$0xFFFFFFD0] =	vst v9;
	s26 =	simm.s32 $0x0  }
0x232: {  	s5 =	simm.s32 $0x10;
	_ =	swait.ge [sflag:s7], $0x2800;
	s21 =	sand.u32 $0x1C00, s26  }
0x233: {  	s3 =	sand.u32 $0x70, s5;
	[sflag:s7] =	ssyncset.done $0x0;
	s8 =	sadd.s32 $0x11500, s21  }
0x234: {  	[sflag:s7] =	ssyncadd.s32 $0xFFFFD800;
	s14 =	sor.u32 s3, s8  }
0x235: {  	v11 =	vld [tilespmem:s14+$0x0]  }
0x236: {  	s7 =	sand.u32 $0x60, s26;
	v12 =	vld [tilespmem:s14+$0x80]  }
0x237: {  	s15 =	sor.u32 s7, s8;
	v14 =	vld [tilespmem:s14+$0x100]  }
0x238: {  	v13 =	vld [tilespmem:s15+$0x0]  }
0x239: {  	v15 =	vld [tilespmem:s15+$0x80]  }
0x23a: {  	v16 =	vld [tilespmem:s14+$0x180]  }
0x23b: {  	s24 =	sand.u32 $0x7, s26;
	v17 =	vld [tilespmem:s15+$0x100];
	v11 =	vadd.f32 v12, v11  }
0x23c: {  	s8 =	sshll.u32 s24, $0x4;
	v12 =	vld [tilespmem:s14+$0x200]  }
0x23d: {  	s8 =	sadd.s32 $0x0, s8;
	v18 =	vld [tilespmem:s15+$0x180];
	v11 =	vadd.f32 v14, v11  }
0x23e: {  	s8 =	sadd.s32 $0x10, s8;
	v13 =	vadd.f32 v15, v13;
	v14 =	vld [tilespmem:s14+$0x280]  }
0x23f: {  	s9 =	sand.u32 $0x3, s26;
	s8 =	sor.u32 $0x300, s8;
	v15 =	vld [tilespmem:s15+$0x200];
	v11 =	vadd.f32 v16, v11  }
0x240: {  	s5 =	sor.u32 s5, s26;
	s9 =	sshll.u32 s9, $0x5;
	v13 =	vadd.f32 v17, v13;
	v16 =	vld [tilespmem:s8+$0x11500]  }
0x241: {  	s5 =	sor.u32 $0x380, s5;
	s25 =	sadd.s32 $0x0, s9;
	v17 =	vld [tilespmem:s15+$0x280];
	v11 =	vadd.f32 v12, v11  }
0x242: {  	s30 =	sadd.s32 $0x12900, s21;
	s8 =	sor.u32 $0x300, s25;
	v13 =	vadd.f32 v18, v13;
	v12 =	vld [tilespmem:s5+$0x11500]  }
0x243: {  	s22 =	sor.u32 s26, s26;
	s23 =	sor.u32 s3, s30;
	v18 =	vld [tilespmem:s8+$0x11500];
	v11 =	vadd.f32 v14, v11  }
0x244: {  	s16 =	sadd.s32 $0x12980, s21;
	s5 =	sor.u32 $0x380, s22;
	v13 =	vadd.f32 v15, v13;
	v14 =	vld [tilespmem:s23+$0x0]  }
0x245: {  	s24 =	sor.u32 s3, s16;
	v15 =	vld [tilespmem:s5+$0x11500];
	v11 =	vadd.f32 v16, v11  }
0x246: {  	s25 =	sor.u32 s7, s30;
	s30 =	sadd.s32 $0x12A00, s21;
	v13 =	vadd.f32 v17, v13;
	v16 =	vld [tilespmem:s24+$0x0]  }
0x247: {  	s8 =	sor.u32 s3, s30;
	v17 =	vld [tilespmem:s25+$0x0];
	v11 =	vadd.f32 v12, v11  }
0x248: {  	s22 =	sor.u32 s7, s16;
	s23 =	sadd.s32 $0x12A80, s21;
	v13 =	vadd.f32 v18, v13;
	v12 =	vld [tilespmem:s8+$0x0]  }
0x249: {  	s24 =	sor.u32 s3, s23;
	v18 =	vld [tilespmem:s22+$0x0];
	v11 =	vadd.f32 v14, v11  }
0x24a: {  	s25 =	sor.u32 s7, s30;
	s30 =	sadd.s32 $0x12B00, s21;
	v13 =	vadd.f32 v15, v13;
	v14 =	vld [tilespmem:s24+$0x0]  }
0x24b: {  	s22 =	sor.u32 s3, s30;
	v15 =	vld [tilespmem:s25+$0x0];
	v11 =	vadd.f32 v16, v11  }
0x24c: {  	s23 =	sor.u32 s7, s23;
	s24 =	sadd.s32 $0x12B80, s21;
	v13 =	vadd.f32 v17, v13;
	v16 =	vld [tilespmem:s22+$0x0]  }
0x24d: {  	v17 =	vld [tilespmem:s23+$0x0];
	s25 =	sor.u32 s3, s24;
	v12 =	vadd.f32 v12, v11  }
0x24e: {  	s9 =	sadd.s32 $0x12C00, s21;
	s30 =	sor.u32 s7, s30;
	v19 =	vld [tilespmem:s25+$0x0];
	v18 =	vadd.f32 v18, v13  }
0x24f: {  	s5 =	sor.u32 s7, s9;
	s23 =	sor.u32 s3, s9;
	v11 =	vld [tilespmem:s30+$0x0];
	v12 =	vadd.f32 v14, v12  }
0x250: {  	s24 =	sor.u32 s7, s24;
	s25 =	sadd.s32 $0x12C80, s21;
	v13 =	vld [tilespmem:s23+$0x0];
	s30 =	sadd.s32 $0x0, s4;
	v18 =	vadd.f32 v15, v18  }
0x251: {  	s22 =	simm.s32 $0x0;
	s23 =	sor.u32 s3, s25;
	s21 =	sand.u32 $0x7F80, s30;
	v14 =	vld [tilespmem:s24+$0x0];
	v12 =	vadd.f32 v16, v12  }
0x252: {  	s9 =	sor.u32 s7, s25;
	s25 =	simm.s32 $0x0;
	v15 =	vld [tilespmem:s23+$0x0];
	s3 =	sor.u32 s3, s21;
	v17 =	vadd.f32 v17, v18  }
0x253: {  	s23 =	simm.s32 $0x1;
	s8 =	sor.u32 s7, s21;
	s24 =	simm.s32 $0x0;
	v16 =	vadd.f32 v19, v12;
	v12 =	vld [tilespmem:s3+$0x9D00]  }
.LBB2_20:
0x254: {  	s7 =	sand.u32 $0x3, s23;
	v11 =	vadd.f32 v11, v17;
	v17 =	vld [tilespmem:s3+$0xED00]  }
0x255: {  	s26 =	sadd.s32 $0x100, s26;
	s24 =	sadd.s32 $0x20, s24;
	s16 =	sshll.u32 s7, $0x5;
	v18 =	vld [tilespmem:s5+$0x0];
	v13 =	vadd.f32 v13, v16  }
0x256: {  	s21 =	sand.u32 $0x60, s24;
	s7 =	sand.u32 $0x1C00, s26;
	s5 =	sadd.s32 $0x10, s24;
	v11 =	vadd.f32 v14, v11;
	v14 =	vld [tilespmem:s9+$0x0]  }
0x257: {  	s22 =	sadd.s32 $0x2, s22;
	s9 =	sadd.s32 $0x11500, s7;
	s3 =	sand.u32 $0x70, s5;
	v16 =	vld [tilespmem:s8+$0x9D00];
	v13 =	vadd.f32 v15, v13  }
0x258: {  	p0 =	slt.u32 s22, $0x26;
	s30 =	sor.u32 s21, s9;
	s9 =	sor.u32 s3, s9;
	v15 =	vld [tilespmem:s8+$0xED00]  }
0x259: {  	s8 =	sadd.s32 s16, s26;
	s16 =	sor.u32 s24, s26;
	v19 =	vld [tilespmem:s9+$0x0];
	v12 =	vadd.f32 v12, v13;
	v13 =	vmul.f32 v17, v17  }
0x25a: {  	s8 =	sor.u32 $0x300, s8;
	s16 =	sor.u32 $0x380, s16;
	v17 =	vld [tilespmem:s9+$0x80];
	v11 =	vadd.f32 v18, v11  }
0x25b: {  	v18 =	vld [tilespmem:s30+$0x0];
	v12 =	vmul.f32 v13, v12  }
0x25c: {  	v13 =	vld [tilespmem:s9+$0x100];
	v11 =	vadd.f32 v14, v11  }
0x25d: {  	v14 =	vld [tilespmem:s30+$0x80];
	v15 =	vmul.f32 v15, v15;
	[tilespmem:s14+$0x0] =	vst v12;
	s14 =	smov.u32 s9  }
0x25e: {  	s25 =	sadd.s32 $0x2, s25;
	v12 =	vld [tilespmem:s14+$0x180];
	v11 =	vadd.f32 v16, v11  }
0x25f: {  	s9 =	sand.u32 $0x7, s25;
	v16 =	vld [tilespmem:s30+$0x100];
	v17 =	vadd.f32 v17, v19  }
0x260: {  	s9 =	sshll.u32 s9, $0x4;
	v19 =	vld [tilespmem:s14+$0x200];
	v11 =	vmul.f32 v15, v11  }
0x261: {  	s9 =	sadd.s32 s26, s9;
	v15 =	vld [tilespmem:s30+$0x180];
	v13 =	vadd.f32 v13, v17  }
0x262: {  	s9 =	sadd.s32 $0x10, s9;
	v14 =	vadd.f32 v14, v18;
	v17 =	vld [tilespmem:s14+$0x280];
	[tilespmem:s15+$0x0] =	vst v11;
	s15 =	smov.u32 s30  }
0x263: {  	s9 =	sor.u32 $0x300, s9;
	v11 =	vld [tilespmem:s15+$0x200];
	v12 =	vadd.f32 v12, v13  }
0x264: {  	s5 =	sor.u32 s5, s26;
	v13 =	vadd.f32 v16, v14;
	v14 =	vld [tilespmem:s9+$0x11500]  }
0x265: {  	s5 =	sor.u32 $0x380, s5;
	v16 =	vld [tilespmem:s15+$0x280];
	v12 =	vadd.f32 v19, v12  }
0x266: {  	s9 =	sadd.s32 $0x12900, s7;
	v13 =	vadd.f32 v15, v13;
	v15 =	vld [tilespmem:s5+$0x11500]  }
0x267: {  	s5 =	sor.u32 s21, s9;
	v18 =	vld [tilespmem:s8+$0x11500];
	v12 =	vadd.f32 v17, v12;
	s8 =	sor.u32 s3, s9  }
0x268: {  	s9 =	sadd.s32 $0x12980, s7;
	v11 =	vadd.f32 v11, v13;
	v13 =	vld [tilespmem:s8+$0x0]  }
0x269: {  	s8 =	sor.u32 s21, s9;
	s9 =	sor.u32 s3, s9;
	v17 =	vld [tilespmem:s16+$0x11500];
	v12 =	vadd.f32 v14, v12  }
0x26a: {  	s16 =	sadd.s32 $0x12A00, s7;
	v11 =	vadd.f32 v16, v11;
	v14 =	vld [tilespmem:s9+$0x0]  }
0x26b: {  	s9 =	sor.u32 s3, s16;
	v16 =	vld [tilespmem:s5+$0x0];
	s5 =	sor.u32 s21, s16;
	v12 =	vadd.f32 v15, v12  }
0x26c: {  	s16 =	sadd.s32 $0x12A80, s7;
	v11 =	vadd.f32 v18, v11;
	v15 =	vld [tilespmem:s9+$0x0]  }
0x26d: {  	s9 =	sor.u32 s3, s16;
	v18 =	vld [tilespmem:s8+$0x0];
	s8 =	sor.u32 s21, s16;
	v12 =	vadd.f32 v13, v12  }
0x26e: {  	s16 =	sadd.s32 $0x12B00, s7;
	v11 =	vadd.f32 v17, v11;
	v13 =	vld [tilespmem:s9+$0x0]  }
0x26f: {  	s9 =	sor.u32 s3, s16;
	v17 =	vld [tilespmem:s5+$0x0];
	s5 =	sor.u32 s21, s16;
	v12 =	vadd.f32 v14, v12  }
0x270: {  	s16 =	sadd.s32 $0x12B80, s7;
	v11 =	vadd.f32 v16, v11;
	v16 =	vld [tilespmem:s9+$0x0]  }
0x271: {  	s9 =	sor.u32 s3, s16;
	v19 =	vld [tilespmem:s8+$0x0];
	s8 =	sor.u32 s21, s16;
	v12 =	vadd.f32 v15, v12  }
0x272: {  	s16 =	sadd.s32 $0x12C00, s7;
	v14 =	vadd.f32 v18, v11;
	v18 =	vld [tilespmem:s9+$0x0]  }
.Ltmp9:
0x273: {  	s9 =	sor.u32 s3, s16;
	v11 =	vld [tilespmem:s5+$0x0];
	s5 =	sor.u32 s21, s16;
	v12 =	vadd.f32 v13, v12;
	(pc) =	sbr.rel @p0 .LBB2_20-.Ltmp9, $4  }
0x274: {  	s7 =	sadd.s32 $0x12C80, s7;
	s16 =	sadd.s32 s24, s4;
	v15 =	vadd.f32 v17, v14;
	v13 =	vld [tilespmem:s9+$0x0]  }
0x275: {  	s9 =	sor.u32 s21, s7;
	s16 =	sand.u32 $0x7F80, s16;
	s7 =	sor.u32 s3, s7;
	v14 =	vld [tilespmem:s8+$0x0];
	v12 =	vadd.f32 v16, v12  }
0x276: {  	s8 =	sor.u32 s21, s16;
	s3 =	sor.u32 s3, s16;
	v17 =	vadd.f32 v19, v15;
	v15 =	vld [tilespmem:s7+$0x0]  }
0x277: {  	s23 =	sadd.s32 $0x1, s23;
	v16 =	vadd.f32 v18, v12;
	v12 =	vld [tilespmem:s3+$0x9D00]  }
0x278: {  	v18 =	vld [tilespmem:s5+$0x0]  }
0x279: {  	v19 =	vld [tilespmem:s3+$0xED00];
	v11 =	vadd.f32 v11, v17  }
0x27a: {  	v17 =	vld [tilespmem:s9+$0x0]  }
0x27b: {  	v20 =	vld [tilespmem:s8+$0xED00];
	v11 =	vadd.f32 v14, v11  }
0x27c: {  	v13 =	vadd.f32 v13, v16;
	v14 =	vld [tilespmem:s8+$0x9D00]  }
0x27d: {  	v11 =	vadd.f32 v18, v11  }
0x27e: {  	v13 =	vadd.f32 v15, v13  }
0x27f: {  	v11 =	vadd.f32 v17, v11  }
0x280: {  	v12 =	vadd.f32 v12, v13;
	v13 =	vmul.f32 v19, v19  }
0x281: {  	v15 =	vmul.f32 v20, v20;
	v11 =	vadd.f32 v14, v11  }
0x282: {  	v12 =	vmul.f32 v13, v12  }
0x283: {  	v11 =	vmul.f32 v15, v11  }
0x284: {  	[tilespmem:s14+$0x0] =	vst v12  }
0x285: {  	[tilespmem:s15+$0x0] =	vst v11  }
0x286: {  	s5 =	simm.s32 $0x11500;
	s15 =	rddreg [dreg:$0x17]  }
0x287: {  	[spmem:s15] =	stream.linear.scatter [tilespmem:s5], [sflag:$0x3], $0x80, $0x38;
	[tilespmem:$0x16780] =	vst v63  }
0x288: {  	s7 =	simm.s32 $0x11900;
	s16 =	rddreg [dreg:$0x18]  }
0x289: {  	[spmem:s16] =	stream.linear.scatter [tilespmem:s7], [sflag:$0x3], $0x80, $0x38;
	[tilespmem:$0x16780] =	vst v63  }
0x28a: {  	s22 =	simm.s32 $0x11D00;
	s21 =	rddreg [dreg:$0x19]  }
0x28b: {  	[spmem:s21] =	stream.linear.scatter [tilespmem:s22], [sflag:$0x3], $0x80, $0x38;
	[tilespmem:$0x16780] =	vst v63  }
0x28c: {  	s24 =	simm.s32 $0x12100;
	s23 =	rddreg [dreg:$0x1a]  }
0x28d: {  	[spmem:s23] =	stream.linear.scatter [tilespmem:s24], [sflag:$0x3], $0x80, $0x38;
	[tilespmem:$0x16780] =	vst v63  }
0x28e: {  	s26 =	simm.s32 $0x12500;
	s25 =	rddreg [dreg:$0x1b]  }
0x28f: {  	[spmem:s25] =	stream.linear.scatter [tilespmem:s26], [sflag:$0x3], $0x80, $0x38;
	[tilespmem:$0x16780] =	vst v63  }
0x290: {  	_ =	swait.ge [sflag:s1], $0x280  }
0x291: {  	[sflag:s1] =	ssyncset.done $0x0  }
0x292: {  	[sflag:s1] =	ssyncadd.s32 $0xFFFFFD80  }
0x293: {  	[bflag:$0x0] =	sbarrier.arrive $0xFFFF  }
0x294: {  	v11 =	vmov s6;
	s30 =	rddreg [dreg:$0x3]  }
0x295: {  	v12 =	vmov s13;
	[tilespmem:s29], [sflag:$0x3] =	stream.linear.gather [spmem:s30], $0x2800, $0x38;
	[tilespmem:$0x16780] =	vst v63  }
0x296: {  	v13 =	vmov s12;
	_ =	swait.ge [sflag:s1], $0x2800  }
0x297: {  	[sflag:s1] =	ssyncset.done $0x0  }
0x298: {  	v16 =	vmov s2;
	s2 =	simm.s32 $0x0;
	[sflag:s1] =	ssyncadd.s32 $0xFFFFD800  }
0x299: {  	v17 =	vmov s0;
	v14 =	vld.idx.msk [tilespmem:v11+s2+$0x80 ss:$0x1], $0xffff  }
0x29a: {  	v15 =	vld.idx.msk [tilespmem:v12+s2+$0x0 ss:$0x1], $0xffff  }
0x29b: {  	v19 =	vld.idx.msk [tilespmem:v13+s2+$0x0 ss:$0x1], $0xffff  }
0x29c: {  	v23 =	vld.idx.msk [tilespmem:v8+s2+$0x90 ss:$0x1], $0xffff  }
0x29d: {  	v18 =	vmov s28;
	v26 =	vld.idx.msk [tilespmem:v16+s2+$0x0 ss:$0x1], $0xffff  }
0x29e: {  	v20 =	vmov s19;
	v28 =	vld.idx.msk [tilespmem:v17+s2+$0x80 ss:$0x1], $0xffff  }
0x29f: {  	v21 =	vmov s10;
	v29 =	vld.idx.msk [tilespmem:v12+s2+$0xFFFFFF80 ss:$0x1], $0xffff  }
0x2a0: {  	v30 =	vld.idx.msk [tilespmem:v8+s2+$0x180 ss:$0x1], $0xffff  }
0x2a1: {  	v22 =	vmov s11;
	v37 =	vld.idx.msk [tilespmem:v8+s2+$0x190 ss:$0x1], $0xffff  }
0x2a2: {  	v24 =	vmov s18;
	v38 =	vld.idx.msk [tilespmem:v18+s2+$0x80 ss:$0x1], $0xffff  }
0x2a3: {  	v36 =	vld.idx.msk [tilespmem:v20+s2+$0x0 ss:$0x1], $0xffff  }
0x2a4: {  	v34 =	vld.idx.msk [tilespmem:v21+s2+$0x0 ss:$0x1], $0xffff  }
0x2a5: {  	v31 =	vld.idx.msk [tilespmem:v20+s2+$0xFFFFFF80 ss:$0x1], $0xffff  }
0x2a6: {  	v25 =	vmov s17;
	v32 =	vld.idx.msk [tilespmem:v22+s2+$0xFFFFFF80 ss:$0x1], $0xffff  }
0x2a7: {  	v27 =	vmov s20;
	v33 =	vld.idx.msk [tilespmem:v24+s2+$0x0 ss:$0x1], $0xffff  }
0x2a8: {  	v35 =	vld.idx.msk [tilespmem:v8+s2+$0x80 ss:$0x1], $0xffff  }
0x2a9: {  	v39 =	vld.idx.msk [tilespmem:v8+s2+$0x0 ss:$0x1], $0xffff  }
0x2aa: {  	v40 =	vld.idx.msk [tilespmem:v24+s2+$0xFFFFFF80 ss:$0x1], $0xffff  }
0x2ab: {  	v41 =	vld.idx.msk [tilespmem:v25+s2+$0x0 ss:$0x1], $0xffff  }
0x2ac: {  	v42 =	vld.idx.msk [tilespmem:v27+s2+$0x0 ss:$0x1], $0xffff  }
0x2ad: {  	v43 =	vld.idx.msk [tilespmem:v18+s2+$0x0 ss:$0x1], $0xffff  }
0x2ae: {  	v44 =	vld.idx.msk [tilespmem:v13+s2+$0xFFFFFF80 ss:$0x1], $0xffff  }
0x2af: {  	v45 =	vld.idx.msk [tilespmem:v17+s2+$0x0 ss:$0x1], $0xffff  }
0x2b0: {  	v46 =	vld.idx.msk [tilespmem:v8+s2+$0x10 ss:$0x1], $0xffff  }
0x2b1: {  	v47 =	vld.idx.msk [tilespmem:v22+s2+$0x0 ss:$0x1], $0xffff  }
0x2b2: {  	v48 =	vld.idx.msk [tilespmem:v11+s2+$0x0 ss:$0x1], $0xffff  }
0x2b3: {  	v49 =	vld.idx.msk [tilespmem:v27+s2+$0xFFFFFF80 ss:$0x1], $0xffff  }
0x2b4: {  	v59 =	vld.idx.msk [tilespmem:v21+s2+$0xFFFFFF80 ss:$0x1], $0xffff  }
0x2b5: {  	v60 =	vld.idx.msk [tilespmem:v25+s2+$0xFFFFFF80 ss:$0x1], $0xffff  }
0x2b6: {  	v61 =	vld.idx.msk [tilespmem:v8+s2+$0x110 ss:$0x1], $0xffff  }
0x2b7: {  	v62 =	vld.idx.msk [tilespmem:v8+s2+$0x100 ss:$0x1], $0xffff  }
0x2b8: {  	v50 =	vld.idx.msk [tilespmem:v16+s2+$0xFFFFFF80 ss:$0x1], $0xffff  }
0x2b9: {  	v39 =	vld.idx.msk [tilespmem:v39+s29+$0x0], $0xffff  }
0x2ba: {  	v40 =	vld.idx.msk [tilespmem:v40+s29+$0x0], $0xffff  }
0x2bb: {  	v43 =	vld.idx.msk [tilespmem:v43+s29+$0x0], $0xffff  }
0x2bc: {  	v49 =	vld.idx.msk [tilespmem:v49+s29+$0x0], $0xffff  }
0x2bd: {  	v51 =	vld.idx.msk [tilespmem:v32+s29+$0x0], $0xffff  }
0x2be: {  	v52 =	vld.idx.msk [tilespmem:v31+s29+$0x0], $0xffff  }
0x2bf: {  	v53 =	vld.idx.msk [tilespmem:v59+s29+$0x0], $0xffff  }
0x2c0: {  	v63 =	vld.idx.msk [tilespmem:v60+s29+$0x0], $0xffff  }
0x2c1: {  	v32 =	vld.idx.msk [tilespmem:v62+s29+$0x0], $0xffff  }
0x2c2: {  	v31 =	vld.idx.msk [tilespmem:v48+s29+$0x0], $0xffff  }
0x2c3: {  	[tilespmem:v35+s31+$0x0] =	vst.idx.add.f32.msk $0xffff, v39  }
0x2c4: {  	[tilespmem:v33+s31+$0x0] =	vst.idx.add.f32.msk $0xffff, v40  }
0x2c5: {  	v39 =	vld.idx.msk [tilespmem:v61+s29+$0x0], $0xffff  }
0x2c6: {  	[tilespmem:v42+s31+$0x0] =	vst.idx.add.f32.msk $0xffff, v49  }
0x2c7: {  	[tilespmem:v47+s31+$0x0] =	vst.idx.add.f32.msk $0xffff, v51  }
0x2c8: {  	[tilespmem:v41+s31+$0x0] =	vst.idx.add.f32.msk $0xffff, v63  }
0x2c9: {  	v33 =	vld.idx.msk [tilespmem:v50+s29+$0x0], $0xffff  }
0x2ca: {  	[tilespmem:v34+s31+$0x0] =	vst.idx.add.f32.msk $0xffff, v53  }
0x2cb: {  	v34 =	vld.idx.msk [tilespmem:v44+s29+$0x0], $0xffff  }
0x2cc: {  	v35 =	vld.idx.msk [tilespmem:v45+s29+$0x0], $0xffff  }
0x2cd: {  	[tilespmem:v36+s31+$0x0] =	vst.idx.add.f32.msk $0xffff, v52  }
0x2ce: {  	v36 =	vld.idx.msk [tilespmem:v46+s29+$0x0], $0xffff  }
0x2cf: {  	[tilespmem:v38+s31+$0x0] =	vst.idx.add.f32.msk $0xffff, v43  }
0x2d0: {  	s3 =	simm.s32 $0x0;
	s0 =	simm.s32 $0x0;
	[tilespmem:v37+s31+$0x0] =	vst.idx.add.f32.msk $0xffff, v39  }
.LBB2_22:
0x2d1: {  	s0 =	sadd.s32 $0x10, s0;
	[tilespmem:v30+s31+$0x0] =	vst.idx.add.f32.msk $0xffff, v32;
	s3 =	sadd.s32 $0x200, s3  }
0x2d2: {  	p0 =	slt.u32 s0, $0x4D0;
	v29 =	vld.idx.msk [tilespmem:v29+s29+$0x0], $0xffff  }
0x2d3: {  	[tilespmem:v28+s31+$0x0] =	vst.idx.add.f32.msk $0xffff, v35  }
0x2d4: {  	[tilespmem:v26+s31+$0x0] =	vst.idx.add.f32.msk $0xffff, v33  }
0x2d5: {  	[tilespmem:v23+s31+$0x0] =	vst.idx.add.f32.msk $0xffff, v36  }
0x2d6: {  	[tilespmem:v19+s31+$0x0] =	vst.idx.add.f32.msk $0xffff, v34  }
0x2d7: {  	[tilespmem:v14+s31+$0x0] =	vst.idx.add.f32.msk $0xffff, v31  }
0x2d8: {  	[tilespmem:v15+s31+$0x0] =	vst.idx.add.f32.msk $0xffff, v29  }
0x2d9: {  	v14 =	vld.idx.msk [tilespmem:v11+s3+$0x80 ss:$0x1], $0xffff  }
0x2da: {  	v15 =	vld.idx.msk [tilespmem:v12+s3+$0x0 ss:$0x1], $0xffff  }
0x2db: {  	v19 =	vld.idx.msk [tilespmem:v13+s3+$0x0 ss:$0x1], $0xffff  }
0x2dc: {  	v23 =	vld.idx.msk [tilespmem:v8+s3+$0x90 ss:$0x1], $0xffff  }
0x2dd: {  	v26 =	vld.idx.msk [tilespmem:v16+s3+$0x0 ss:$0x1], $0xffff  }
0x2de: {  	v28 =	vld.idx.msk [tilespmem:v17+s3+$0x80 ss:$0x1], $0xffff  }
0x2df: {  	v29 =	vld.idx.msk [tilespmem:v12+s3+$0xFFFFFF80 ss:$0x1], $0xffff  }
0x2e0: {  	v30 =	vld.idx.msk [tilespmem:v8+s3+$0x180 ss:$0x1], $0xffff  }
0x2e1: {  	v37 =	vld.idx.msk [tilespmem:v8+s3+$0x190 ss:$0x1], $0xffff  }
0x2e2: {  	v38 =	vld.idx.msk [tilespmem:v18+s3+$0x80 ss:$0x1], $0xffff  }
0x2e3: {  	v36 =	vld.idx.msk [tilespmem:v20+s3+$0x0 ss:$0x1], $0xffff  }
0x2e4: {  	v34 =	vld.idx.msk [tilespmem:v21+s3+$0x0 ss:$0x1], $0xffff  }
0x2e5: {  	v31 =	vld.idx.msk [tilespmem:v20+s3+$0xFFFFFF80 ss:$0x1], $0xffff  }
0x2e6: {  	v32 =	vld.idx.msk [tilespmem:v22+s3+$0xFFFFFF80 ss:$0x1], $0xffff  }
0x2e7: {  	v33 =	vld.idx.msk [tilespmem:v24+s3+$0x0 ss:$0x1], $0xffff  }
0x2e8: {  	v35 =	vld.idx.msk [tilespmem:v8+s3+$0x80 ss:$0x1], $0xffff  }
0x2e9: {  	v39 =	vld.idx.msk [tilespmem:v8+s3+$0x0 ss:$0x1], $0xffff  }
0x2ea: {  	v40 =	vld.idx.msk [tilespmem:v24+s3+$0xFFFFFF80 ss:$0x1], $0xffff  }
0x2eb: {  	v41 =	vld.idx.msk [tilespmem:v25+s3+$0x0 ss:$0x1], $0xffff  }
0x2ec: {  	v42 =	vld.idx.msk [tilespmem:v27+s3+$0x0 ss:$0x1], $0xffff  }
0x2ed: {  	v43 =	vld.idx.msk [tilespmem:v18+s3+$0x0 ss:$0x1], $0xffff  }
0x2ee: {  	v44 =	vld.idx.msk [tilespmem:v13+s3+$0xFFFFFF80 ss:$0x1], $0xffff  }
0x2ef: {  	v45 =	vld.idx.msk [tilespmem:v17+s3+$0x0 ss:$0x1], $0xffff  }
0x2f0: {  	v46 =	vld.idx.msk [tilespmem:v8+s3+$0x10 ss:$0x1], $0xffff  }
0x2f1: {  	v39 =	vld.idx.msk [tilespmem:v39+s29+$0x0], $0xffff  }
0x2f2: {  	v40 =	vld.idx.msk [tilespmem:v40+s29+$0x0], $0xffff  }
0x2f3: {  	v47 =	vld.idx.msk [tilespmem:v22+s3+$0x0 ss:$0x1], $0xffff  }
0x2f4: {  	v48 =	vld.idx.msk [tilespmem:v11+s3+$0x0 ss:$0x1], $0xffff  }
0x2f5: {  	v43 =	vld.idx.msk [tilespmem:v43+s29+$0x0], $0xffff  }
0x2f6: {  	v49 =	vld.idx.msk [tilespmem:v27+s3+$0xFFFFFF80 ss:$0x1], $0xffff  }
0x2f7: {  	[tilespmem:v35+s31+$0x0] =	vst.idx.add.f32.msk $0xffff, v39  }
0x2f8: {  	[tilespmem:v33+s31+$0x0] =	vst.idx.add.f32.msk $0xffff, v40  }
0x2f9: {  	v33 =	vld.idx.msk [tilespmem:v21+s3+$0xFFFFFF80 ss:$0x1], $0xffff  }
0x2fa: {  	v35 =	vld.idx.msk [tilespmem:v25+s3+$0xFFFFFF80 ss:$0x1], $0xffff  }
0x2fb: {  	v39 =	vld.idx.msk [tilespmem:v8+s3+$0x110 ss:$0x1], $0xffff  }
0x2fc: {  	v40 =	vld.idx.msk [tilespmem:v8+s3+$0x100 ss:$0x1], $0xffff  }
0x2fd: {  	v50 =	vld.idx.msk [tilespmem:v16+s3+$0xFFFFFF80 ss:$0x1], $0xffff  }
0x2fe: {  	v49 =	vld.idx.msk [tilespmem:v49+s29+$0x0], $0xffff  }
0x2ff: {  	v51 =	vld.idx.msk [tilespmem:v32+s29+$0x0], $0xffff  }
0x300: {  	v52 =	vld.idx.msk [tilespmem:v31+s29+$0x0], $0xffff  }
0x301: {  	v53 =	vld.idx.msk [tilespmem:v33+s29+$0x0], $0xffff  }
0x302: {  	v33 =	vld.idx.msk [tilespmem:v35+s29+$0x0], $0xffff  }
0x303: {  	v39 =	vld.idx.msk [tilespmem:v39+s29+$0x0], $0xffff  }
0x304: {  	[tilespmem:v42+s31+$0x0] =	vst.idx.add.f32.msk $0xffff, v49  }
0x305: {  	v32 =	vld.idx.msk [tilespmem:v40+s29+$0x0], $0xffff  }
0x306: {  	[tilespmem:v47+s31+$0x0] =	vst.idx.add.f32.msk $0xffff, v51  }
0x307: {  	v31 =	vld.idx.msk [tilespmem:v48+s29+$0x0], $0xffff  }
0x308: {  	[tilespmem:v41+s31+$0x0] =	vst.idx.add.f32.msk $0xffff, v33  }
0x309: {  	v33 =	vld.idx.msk [tilespmem:v50+s29+$0x0], $0xffff  }
0x30a: {  	[tilespmem:v34+s31+$0x0] =	vst.idx.add.f32.msk $0xffff, v53  }
0x30b: {  	v34 =	vld.idx.msk [tilespmem:v44+s29+$0x0], $0xffff  }
.Ltmp10:
0x30c: {  	v35 =	vld.idx.msk [tilespmem:v45+s29+$0x0], $0xffff;
	(pc) =	sbr.rel @p0 .LBB2_22-.Ltmp10, $4  }
0x30d: {  	[tilespmem:v36+s31+$0x0] =	vst.idx.add.f32.msk $0xffff, v52  }
0x30e: {  	v36 =	vld.idx.msk [tilespmem:v46+s29+$0x0], $0xffff  }
0x30f: {  	[tilespmem:v38+s31+$0x0] =	vst.idx.add.f32.msk $0xffff, v43  }
0x310: {  	[tilespmem:v37+s31+$0x0] =	vst.idx.add.f32.msk $0xffff, v39  }
0x311: {  	_ =	sdelay $0x3  }
0x312: {  	[tilespmem:v30+s31+$0x0] =	vst.idx.add.f32.msk $0xffff, v32  }
0x313: {  	v11 =	vld.idx.msk [tilespmem:v29+s29+$0x0], $0xffff  }
0x314: {  	[tilespmem:v28+s31+$0x0] =	vst.idx.add.f32.msk $0xffff, v35  }
0x315: {  	[tilespmem:v26+s31+$0x0] =	vst.idx.add.f32.msk $0xffff, v33  }
0x316: {  	[tilespmem:v19+s31+$0x0] =	vst.idx.add.f32.msk $0xffff, v34  }
0x317: {  	[tilespmem:v14+s31+$0x0] =	vst.idx.add.f32.msk $0xffff, v31  }
0x318: {  	[tilespmem:v23+s31+$0x0] =	vst.idx.add.f32.msk $0xffff, v36  }
0x319: {  	s17 =	simm.s32 $0x0;
	s21 =	simm.s32 $0x80;
	s22 =	simm.s32 $0x1;
	[tilespmem:v15+s31+$0x0] =	vst.idx.add.f32.msk $0xffff, v11  }
.LBB2_24:
0x31a: {  	s0 =	sshra.s32 s2, $0x2  }
0x31b: {  	v11 =	vld.idx.msk [tilespmem:v8+s0+$0x9C00 ss:$0x1], $0xffff;
	_ =	sdelay $0x4  }
0x31c: {  	v12 =	vld.idx.msk [tilespmem:v8+s0+$0x9C80 ss:$0x1], $0xffff;
	_ =	sdelay $0x2  }
0x31d: {  	p0 =	sne.s32 s2, $0x40;
	v11 =	vld.idx.msk [tilespmem:v11+s29+$0x0], $0xffff  }
.Ltmp11:
0x31e: {  	_ = 	snop;
	(pc) =	sbr.rel @p0 .LBB2_24-.Ltmp11, $2  }
0x31f: {  	_ =	sdelay $0x2  }
0x320: {  	s2 =	sadd.s32 $0x40, s2;
	[tilespmem:v12+s31+$0x0] =	vst.idx.add.f32.msk $0xffff, v11  }
0x321: {  	s0 =	rddreg [dreg:$0x9];
	s2 =	simm.s32 $0x400  }
0x322: {  	[spmem:s0] =	stream.strided.scatter [tilespmem:s31], [sflag:$0x3], $0x2800, s2, s21, $0x38;
	[tilespmem:$0x16780] =	vst v63  }
0x323: {  	_ =	swait.ge [sflag:s1], $0x2800  }
0x324: {  	[sflag:s1] =	ssyncset.done $0x0  }
0x325: {  	[sflag:s1] =	ssyncadd.s32 $0xFFFFD800  }
0x326: {  	s12 =	simm.s32 $0x1400;
	[bflag:$0x0] =	sbarrier.arrive $0xFFFF  }
0x327: {  	s3 =	simm.s32 $0x14000;
	s6 =	simm.s32 $0x0;
	s11 =	rddreg [dreg:$0xa]  }
0x328: {  	[tilespmem:s5], [sflag:$0x1] =	stream.strided.gather [spmem:s11], $0x2800, s3, s12, $0x38;
	[tilespmem:$0x16780] =	vst v63  }
0x329: {  	s13 =	simm.s32 $0x10;
	s11 =	sand.u32 $0x1C00, s6;
	_ =	swait.ge [sflag:s22], $0x2800  }
0x32a: {  	s3 =	sand.u32 $0x70, s13;
	s14 =	sadd.s32 $0x11500, s11;
	[sflag:s22] =	ssyncset.done $0x0  }
0x32b: {  	s0 =	sor.u32 s3, s14;
	[sflag:s22] =	ssyncadd.s32 $0xFFFFD800  }
0x32c: {  	s7 =	sand.u32 $0x60, s6;
	v11 =	vld [tilespmem:s0+$0x0]  }
0x32d: {  	s2 =	sor.u32 s7, s14;
	v12 =	vld [tilespmem:s0+$0x80]  }
0x32e: {  	v13 =	vld [tilespmem:s2+$0x0]  }
0x32f: {  	v14 =	vld [tilespmem:s0+$0x100]  }
0x330: {  	v15 =	vld [tilespmem:s2+$0x80]  }
0x331: {  	v16 =	vld [tilespmem:s0+$0x180]  }
0x332: {  	s8 =	sand.u32 $0x7, s6;
	v17 =	vld [tilespmem:s2+$0x100];
	v11 =	vadd.f32 v12, v11  }
0x333: {  	s8 =	sshll.u32 s8, $0x4;
	v12 =	vld [tilespmem:s0+$0x200]  }
0x334: {  	s8 =	sadd.s32 $0x0, s8;
	v18 =	vld [tilespmem:s2+$0x180];
	v11 =	vadd.f32 v14, v11  }
0x335: {  	s8 =	sadd.s32 $0x10, s8;
	v13 =	vadd.f32 v15, v13;
	v14 =	vld [tilespmem:s0+$0x280]  }
0x336: {  	s9 =	sand.u32 $0x3, s6;
	s8 =	sor.u32 $0x300, s8;
	v15 =	vld [tilespmem:s2+$0x200];
	v11 =	vadd.f32 v16, v11  }
0x337: {  	s9 =	sshll.u32 s9, $0x5;
	s5 =	sor.u32 s13, s6;
	v13 =	vadd.f32 v17, v13;
	v16 =	vld [tilespmem:s8+$0x11500]  }
0x338: {  	s15 =	sadd.s32 $0x0, s9;
	s5 =	sor.u32 $0x380, s5;
	v17 =	vld [tilespmem:s2+$0x280];
	v11 =	vadd.f32 v12, v11  }
0x339: {  	s16 =	sadd.s32 $0x12900, s11;
	s8 =	sor.u32 $0x300, s15;
	v13 =	vadd.f32 v18, v13;
	v12 =	vld [tilespmem:s5+$0x11500]  }
0x33a: {  	s18 =	sor.u32 s6, s6;
	s19 =	sor.u32 s3, s16;
	v18 =	vld [tilespmem:s8+$0x11500];
	v11 =	vadd.f32 v14, v11  }
0x33b: {  	s10 =	sadd.s32 $0x12980, s11;
	s5 =	sor.u32 $0x380, s18;
	v13 =	vadd.f32 v15, v13;
	v14 =	vld [tilespmem:s19+$0x0]  }
0x33c: {  	s20 =	sor.u32 s3, s10;
	v15 =	vld [tilespmem:s5+$0x11500];
	v11 =	vadd.f32 v16, v11  }
0x33d: {  	s24 =	sadd.s32 $0x12A00, s11;
	s23 =	sor.u32 s7, s16;
	v13 =	vadd.f32 v17, v13;
	v16 =	vld [tilespmem:s20+$0x0]  }
0x33e: {  	s25 =	sor.u32 s3, s24;
	v17 =	vld [tilespmem:s23+$0x0];
	v11 =	vadd.f32 v12, v11  }
0x33f: {  	s28 =	sadd.s32 $0x12A80, s11;
	s26 =	sor.u32 s7, s10;
	v13 =	vadd.f32 v18, v13;
	v12 =	vld [tilespmem:s25+$0x0]  }
0x340: {  	s12 =	sor.u32 s3, s28;
	v18 =	vld [tilespmem:s26+$0x0];
	v11 =	vadd.f32 v14, v11  }
0x341: {  	s13 =	sor.u32 s7, s24;
	s14 =	sadd.s32 $0x12B00, s11;
	v13 =	vadd.f32 v15, v13;
	v14 =	vld [tilespmem:s12+$0x0]  }
0x342: {  	s15 =	sor.u32 s3, s14;
	v15 =	vld [tilespmem:s13+$0x0];
	v11 =	vadd.f32 v16, v11  }
0x343: {  	s16 =	sor.u32 s7, s28;
	s12 =	sadd.s32 $0x12B80, s11;
	v13 =	vadd.f32 v17, v13;
	v16 =	vld [tilespmem:s15+$0x0]  }
0x344: {  	v17 =	vld [tilespmem:s16+$0x0];
	s18 =	sor.u32 s3, s12;
	v12 =	vadd.f32 v12, v11  }
0x345: {  	s19 =	sor.u32 s7, s14;
	s20 =	sadd.s32 $0x12C00, s11;
	v19 =	vld [tilespmem:s18+$0x0];
	v13 =	vadd.f32 v18, v13  }
0x346: {  	s10 =	simm.s32 $0x0;
	s23 =	sor.u32 s3, s20;
	v11 =	vld [tilespmem:s19+$0x0];
	v14 =	vadd.f32 v14, v12  }
0x347: {  	s25 =	sadd.s32 $0x0, s4;
	s11 =	sadd.s32 $0x12C80, s11;
	s24 =	sor.u32 s7, s12;
	v15 =	vadd.f32 v15, v13;
	v12 =	vld [tilespmem:s23+$0x0]  }
0x348: {  	s9 =	sor.u32 s7, s20;
	s28 =	sand.u32 $0x7F80, s25;
	s26 =	sor.u32 s3, s11;
	v13 =	vld [tilespmem:s24+$0x0];
	v16 =	vadd.f32 v16, v14  }
0x349: {  	s13 =	simm.s32 $0x0;
	s8 =	sor.u32 s3, s28;
	s5 =	sor.u32 s7, s11;
	v17 =	vadd.f32 v17, v15;
	v14 =	vld [tilespmem:s26+$0x0]  }
0x34a: {  	s7 =	sor.u32 s7, s28;
	s11 =	simm.s32 $0x1;
	s12 =	simm.s32 $0x0;
	v15 =	vld [tilespmem:s9+$0x0];
	v16 =	vadd.f32 v19, v16  }
.LBB2_26:
0x34b: {  	s3 =	sand.u32 $0x3, s11;
	v11 =	vadd.f32 v11, v17;
	v17 =	vld [tilespmem:s8+$0x9D00]  }
0x34c: {  	s6 =	sadd.s32 $0x100, s6;
	s12 =	sadd.s32 $0x20, s12;
	s9 =	sshll.u32 s3, $0x5;
	v18 =	vld [tilespmem:s5+$0x0];
	v12 =	vadd.f32 v12, v16  }
0x34d: {  	s14 =	sand.u32 $0x60, s12;
	s3 =	sand.u32 $0x1C00, s6;
	s5 =	sadd.s32 $0x10, s12;
	v11 =	vadd.f32 v13, v11;
	v13 =	vld [tilespmem:s8+$0xED00]  }
0x34e: {  	s10 =	sadd.s32 $0x2, s10;
	s8 =	sadd.s32 $0x11500, s3;
	s15 =	sand.u32 $0x70, s5;
	v16 =	vld [tilespmem:s7+$0x9D00];
	v12 =	vadd.f32 v14, v12  }
0x34f: {  	p0 =	slt.u32 s10, $0x26;
	s16 =	sor.u32 s14, s8;
	s8 =	sor.u32 s15, s8;
	v11 =	vadd.f32 v15, v11;
	v14 =	vld [tilespmem:s7+$0xED00]  }
0x350: {  	s7 =	sadd.s32 s9, s6;
	s9 =	sor.u32 s12, s6;
	v15 =	vld [tilespmem:s8+$0x0];
	v12 =	vadd.f32 v17, v12  }
0x351: {  	s7 =	sor.u32 $0x300, s7;
	s9 =	sor.u32 $0x380, s9;
	v17 =	vld [tilespmem:s8+$0x80];
	v11 =	vadd.f32 v18, v11  }
0x352: {  	v18 =	vld [tilespmem:s16+$0x0];
	v12 =	vmul.f32 v13, v12  }
0x353: {  	v13 =	vld [tilespmem:s8+$0x100];
	v11 =	vadd.f32 v16, v11  }
0x354: {  	v16 =	vld [tilespmem:s16+$0x80];
	[tilespmem:s0+$0x0] =	vst v12;
	s0 =	smov.u32 s8  }
0x355: {  	s13 =	sadd.s32 $0x2, s13;
	v12 =	vld [tilespmem:s0+$0x180];
	v11 =	vmul.f32 v14, v11  }
0x356: {  	s8 =	sand.u32 $0x7, s13;
	v14 =	vld [tilespmem:s16+$0x100];
	v15 =	vadd.f32 v17, v15  }
0x357: {  	s8 =	sshll.u32 s8, $0x4;
	v17 =	vld [tilespmem:s0+$0x200];
	[tilespmem:s2+$0x0] =	vst v11;
	s2 =	smov.u32 s16  }
0x358: {  	s8 =	sadd.s32 s6, s8;
	v11 =	vld [tilespmem:s2+$0x180];
	v13 =	vadd.f32 v13, v15  }
0x359: {  	s8 =	sadd.s32 $0x10, s8;
	v15 =	vadd.f32 v16, v18;
	v16 =	vld [tilespmem:s0+$0x280]  }
0x35a: {  	s8 =	sor.u32 $0x300, s8;
	v18 =	vld [tilespmem:s2+$0x200];
	v12 =	vadd.f32 v12, v13  }
0x35b: {  	s5 =	sor.u32 s5, s6;
	v13 =	vadd.f32 v14, v15;
	v14 =	vld [tilespmem:s8+$0x11500]  }
0x35c: {  	s5 =	sor.u32 $0x380, s5;
	v15 =	vld [tilespmem:s2+$0x280];
	v12 =	vadd.f32 v17, v12  }
0x35d: {  	s8 =	sadd.s32 $0x12900, s3;
	v11 =	vadd.f32 v11, v13;
	v13 =	vld [tilespmem:s5+$0x11500]  }
0x35e: {  	s5 =	sor.u32 s14, s8;
	v17 =	vld [tilespmem:s7+$0x11500];
	v12 =	vadd.f32 v16, v12;
	s7 =	sor.u32 s15, s8  }
0x35f: {  	s8 =	sadd.s32 $0x12980, s3;
	v11 =	vadd.f32 v18, v11;
	v16 =	vld [tilespmem:s7+$0x0]  }
0x360: {  	s7 =	sor.u32 s14, s8;
	s8 =	sor.u32 s15, s8;
	v18 =	vld [tilespmem:s9+$0x11500];
	v12 =	vadd.f32 v14, v12  }
0x361: {  	s9 =	sadd.s32 $0x12A00, s3;
	v11 =	vadd.f32 v15, v11;
	v14 =	vld [tilespmem:s8+$0x0]  }
0x362: {  	s8 =	sor.u32 s15, s9;
	v15 =	vld [tilespmem:s5+$0x0];
	s5 =	sor.u32 s14, s9;
	v12 =	vadd.f32 v13, v12  }
0x363: {  	s9 =	sadd.s32 $0x12A80, s3;
	v11 =	vadd.f32 v17, v11;
	v13 =	vld [tilespmem:s8+$0x0]  }
0x364: {  	s8 =	sor.u32 s15, s9;
	v17 =	vld [tilespmem:s7+$0x0];
	s7 =	sor.u32 s14, s9;
	v12 =	vadd.f32 v16, v12  }
0x365: {  	s9 =	sadd.s32 $0x12B00, s3;
	v11 =	vadd.f32 v18, v11;
	v16 =	vld [tilespmem:s8+$0x0]  }
0x366: {  	s8 =	sor.u32 s15, s9;
	v18 =	vld [tilespmem:s5+$0x0];
	s5 =	sor.u32 s14, s9;
	v12 =	vadd.f32 v14, v12  }
0x367: {  	s9 =	sadd.s32 $0x12B80, s3;
	v11 =	vadd.f32 v15, v11;
	v14 =	vld [tilespmem:s8+$0x0]  }
0x368: {  	s8 =	sor.u32 s15, s9;
	v15 =	vld [tilespmem:s7+$0x0];
	s7 =	sor.u32 s14, s9;
	v12 =	vadd.f32 v13, v12  }
0x369: {  	s9 =	sadd.s32 $0x12C00, s3;
	v13 =	vadd.f32 v17, v11;
	v19 =	vld [tilespmem:s8+$0x0]  }
.Ltmp12:
0x36a: {  	s8 =	sor.u32 s14, s9;
	v11 =	vld [tilespmem:s5+$0x0];
	v16 =	vadd.f32 v16, v12;
	s5 =	sor.u32 s15, s9;
	(pc) =	sbr.rel @p0 .LBB2_26-.Ltmp12, $4  }
0x36b: {  	s3 =	sadd.s32 $0x12C80, s3;
	v17 =	vadd.f32 v18, v13;
	v12 =	vld [tilespmem:s5+$0x0]  }
0x36c: {  	s5 =	sor.u32 s14, s3;
	s3 =	sor.u32 s15, s3;
	v13 =	vld [tilespmem:s7+$0x0];
	s7 =	sadd.s32 s12, s4;
	v16 =	vadd.f32 v14, v16  }
0x36d: {  	v17 =	vadd.f32 v15, v17;
	s9 =	sand.u32 $0x7F80, s7;
	v14 =	vld [tilespmem:s3+$0x0]  }
0x36e: {  	s11 =	sadd.s32 $0x1, s11;
	v15 =	vld [tilespmem:s8+$0x0];
	s7 =	sor.u32 s14, s9;
	v16 =	vadd.f32 v19, v16;
	s8 =	sor.u32 s15, s9  }
0x36f: {  	v11 =	vadd.f32 v11, v17  }
0x370: {  	v60 =	vld [tilespmem:s5+$0x0]  }
0x371: {  	v18 =	vld [tilespmem:s8+$0x9D00];
	v11 =	vadd.f32 v13, v11  }
0x372: {  	v61 =	vld [tilespmem:s7+$0x9D00];
	v12 =	vadd.f32 v12, v16  }
0x373: {  	v62 =	vld [tilespmem:s8+$0xED00];
	v11 =	vadd.f32 v15, v11  }
0x374: {  	v63 =	vld [tilespmem:s7+$0xED00];
	v12 =	vadd.f32 v14, v12  }
0x375: {  	v11 =	vadd.f32 v60, v11  }
0x376: {  	v12 =	vadd.f32 v18, v12  }
0x377: {  	v11 =	vadd.f32 v61, v11  }
0x378: {  	v12 =	vmul.f32 v62, v12  }
0x379: {  	v11 =	vmul.f32 v63, v11  }
0x37a: {  	[tilespmem:s0+$0x0] =	vst v12  }
0x37b: {  	[tilespmem:s2+$0x0] =	vst v11  }
0x37c: {  	s16 =	simm.s32 $0x11500;
	s2 =	rddreg [dreg:$0xb]  }
0x37d: {  	[hbm4b:s2+s17] =	stream.linear.scatter [tilespmem:s16], [sflag:$0x3], $0x80, $0x38;
	[tilespmem:$0x16780] =	vst v63  }
0x37e: {  	s3 =	simm.s32 $0x11900;
	s15 =	sadd.s32 $0x20, s2  }
0x37f: {  	[hbm4b:s15+s17] =	stream.linear.scatter [tilespmem:s3], [sflag:$0x3], $0x80, $0x38;
	[tilespmem:$0x16780] =	vst v63  }
0x380: {  	s19 =	simm.s32 $0x11D00;
	s18 =	sadd.s32 $0x40, s2  }
0x381: {  	[hbm4b:s18+s17] =	stream.linear.scatter [tilespmem:s19], [sflag:$0x3], $0x80, $0x38;
	[tilespmem:$0x16780] =	vst v63  }
0x382: {  	s23 =	simm.s32 $0x12100;
	s20 =	sadd.s32 $0x60, s2  }
0x383: {  	[hbm4b:s20+s17] =	stream.linear.scatter [tilespmem:s23], [sflag:$0x3], $0x80, $0x38;
	[tilespmem:$0x16780] =	vst v63  }
0x384: {  	s25 =	simm.s32 $0x12500;
	s24 =	sadd.s32 $0x80, s2  }
0x385: {  	[hbm4b:s24+s17] =	stream.linear.scatter [tilespmem:s25], [sflag:$0x3], $0x80, $0x38;
	[tilespmem:$0x16780] =	vst v63  }
0x386: {  	_ =	swait.ge [sflag:s1], $0x280  }
0x387: {  	s26 =	rddreg [dreg:$0x1c]  }
0x388: {  	s28 =	rddreg [dreg:$0xe];
	s2 =	sadd.s32 $0x1, s26  }
0x389: {  	p0 =	sne.s32 s2, s28  }
.Ltmp13:
0x38a: {  	_ = 	snop;
	(pc) =	sbr.rel @p0 .LBB2_1-.Ltmp13, $3  }
0x38b: {  	_ =	sdelay $0x1  }
0x38c: {  	[sflag:s1] =	ssyncset.done $0x0  }
0x38d: {  	[sflag:s1] =	ssyncadd.s32 $0xFFFFFD80  }
0x38e: {  	_ =	sfence.sel $0x180000  }
0x38f: {  	[bflag:$0x0] =	sbarrier.arrive $0xFFFF  }
0x390: {  	_ =	strace $0x90000047  }
0x391: {  	s0 =	stileid.u32;
	[bflag:$0x2] =	sbarrier.arrive $0xFFFF  }
0x392: {  	p0 =	sne.s32 s0, $0x0;
	s0 =	rddreg [dreg:$0x4]  }
0x393: {  	s0 =	sadd.s32 @!p0 $0x100000, s0  }
0x394: {  	[sflag:s0] =	ssyncadd.tile.s32 @!p0 $0x1;
	_ =	shalt  }
.Lfunc_end2:
_tile_overlayer_lowered:
.L_overlay_start_2:
0x395: {  	(tag) =	ssettag $0x2  }
0x396: {  	s0 =	rddreg [dreg:$0x0];
	s2 =	stileid.u32  }
0x397: {  	s1 =	rddreg [dreg:$0x1];
	p0 =	sne.s32 s2, $0x0  }
0x398: {  	s3 =	rddreg [dreg:$0x2];
	[bflag:$0x3] =	sbarrier.arrive $0xFFFF;
	s2 =	simm.s32 @!p0 $0x1C03  }
0x399: {  	[timem:s3], [sflag:s2] =	dma.local @!p0 [hbm:s0], s1  }
0x39a: {  	s0 =	simm.s32 @!p0 $0x3  }
0x39b: {  	_ =	swait.ge @!p0 [sflag:s0], s1  }
0x39c: {  	s1 =	ssub.s32 @!p0 $0x0, s1;
	[sflag:s0] =	ssyncset.done @!p0 $0x0  }
0x39d: {  	[sflag:s0] =	ssyncadd.s32 @!p0 s1  }
0x39e: {  	[bflag:$0x3] =	sbarrier.arrive $0xFFFF  }
0x39f: {  	_ =	shalt  }

</sc_bundles>
